<compile_context>
chip_gen: v7x
topology: tpu7x:2x2x1
jax: 0.10.2.dev20260603
libtpu: 0.0.44.dev20260713+nightly
codegen_flags: <defaults>
</compile_context>

<pallas_src>
import functools

import numpy as np
import jax
import jax.numpy as jnp
from jax import lax
from jax.experimental import pallas as pl
from jax.experimental.pallas import tpu as pltpu
from jax.experimental.pallas import tpu_sc as plsc

_N_FEAT = 26
_N_DIM = 64
_BATCH = 1024
_N_PAIR = (_N_FEAT * (_N_FEAT + 1)) // 2
_OUT_D = 3 * _N_DIM + 2
_LANES = 128
_N_Q = 4
_Q = 88


def _build_pair_tables():
    xi, yi = [], []
    for i in range(_N_FEAT):
        for j in range(i, _N_FEAT):
            xi.append(i * _N_FEAT + j)
            yi.append(j * _N_FEAT + i)
    xi += [0] * 17
    yi += [0] * 17
    return np.asarray(xi, np.int32), np.asarray(yi, np.int32)


_XF, _YF = _build_pair_tables()


def _ffmp_sc_body(inp_hbm, xf_hbm, yf_hbm, out_hbm,
                  xf_v, yf_v,
                  xb0, yb0, ob0, xb1, yb1, ob1,
                  sx0, sy0, so0, sx1, sy1, so1):
    wid = lax.axis_index("s") * 2 + lax.axis_index("c")
    q = wid // 8
    b0 = (wid % 8) * _LANES
    k_lo = q * _Q
    k_hi = jnp.minimum(k_lo + _Q, _N_PAIR)
    k_last = k_hi - 1

    pltpu.sync_copy(xf_hbm, xf_v)
    pltpu.sync_copy(yf_hbm, yf_v)

    nd16 = _LANES // 16
    sets = ((xb0, yb0, ob0, sx0, sy0, so0), (xb1, yb1, ob1, sx1, sy1, so1))

    def clamp(k):
        return jnp.minimum(k, k_last)

    def start_in(k, st):
        xb, yb, _, sx, sy, _ = st
        xf = xf_v[0, pl.ds(k, 16)][0]
        yf = yf_v[0, pl.ds(k, 16)][0]
        pltpu.async_copy(inp_hbm.at[xf, :, pl.ds(b0, _LANES)], xb, sx)
        pltpu.async_copy(inp_hbm.at[yf, :, pl.ds(b0, _LANES)], yb, sy)

    def wait_in(st):
        xb, yb, _, sx, sy, _ = st
        pltpu.make_async_copy(inp_hbm.at[0, :, pl.ds(b0, _LANES)], xb, sx).wait()
        pltpu.make_async_copy(inp_hbm.at[0, :, pl.ds(b0, _LANES)], yb, sy).wait()

    def start_out(k, st):
        _, _, ob, _, _, so = st
        pltpu.async_copy(ob, out_hbm.at[:, k, pl.ds(b0, _LANES)], so)

    def wait_out(st):
        _, _, ob, _, _, so = st
        pltpu.make_async_copy(ob, out_hbm.at[:, 0, pl.ds(b0, _LANES)], so).wait()

    def compute(st):
        xb, yb, ob, _, _, _ = st

        def dim_body(d, accs):
            new = []
            for lc in range(nd16):
                xv = xb[d, pl.ds(lc * 16, 16)]
                yv = yb[d, pl.ds(lc * 16, 16)]
                s = xv + yv
                dd = xv - yv
                p = xv * yv
                ob[d, pl.ds(lc * 16, 16)] = s
                ob[_N_DIM + d, pl.ds(lc * 16, 16)] = dd
                ob[2 * _N_DIM + d, pl.ds(lc * 16, 16)] = p
                new.append(accs[2 * lc] + p)
                new.append(accs[2 * lc + 1] + dd * dd)
            return tuple(new)

        zeros = tuple(jnp.zeros((16,), jnp.float32) for _ in range(2 * nd16))
        accs = lax.fori_loop(0, _N_DIM, dim_body, zeros)

        for lc in range(nd16):
            ipa = accs[2 * lc]
            sqa = accs[2 * lc + 1]
            ob[3 * _N_DIM, pl.ds(lc * 16, 16)] = ipa
            bits = lax.bitcast_convert_type(sqa, jnp.int32)
            y0 = lax.bitcast_convert_type(
                jnp.int32(0x5F3759DF) - lax.shift_right_logical(bits, 1),
                jnp.float32)
            for _ in range(3):
                y0 = y0 * (1.5 - 0.5 * sqa * y0 * y0)
            dist = jnp.where(sqa > 0.0, sqa * y0, 0.0)
            ob[3 * _N_DIM + 1, pl.ds(lc * 16, 16)] = dist

    start_in(clamp(k_lo), sets[0])
    start_in(clamp(k_lo + 1), sets[1])

    def step(s, carry):
        for half in range(2):
            st = sets[half]
            k = clamp(k_lo + 2 * s + half)
            wait_in(st)

            @pl.when(s >= 1)
            def _():
                wait_out(st)

            compute(st)
            start_in(clamp(k_lo + 2 * s + half + 2), st)
            start_out(k, st)
        return carry

    lax.fori_loop(0, _Q // 2, step, 0)

    for st in sets:
        wait_in(st)
        wait_out(st)


@functools.cache
def _ffmp_sc():
    mesh = plsc.VectorSubcoreMesh(
        core_axis_name="c", subcore_axis_name="s", num_cores=2, num_subcores=16)
    return pl.kernel(
        _ffmp_sc_body,
        out_type=jax.ShapeDtypeStruct((_OUT_D, _N_PAIR, _BATCH), jnp.float32),
        mesh=mesh,
        compiler_params=pltpu.CompilerParams(needs_layout_passes=False),
        scratch_types=[
            pltpu.VMEM((1, _N_PAIR + 17), jnp.int32),
            pltpu.VMEM((1, _N_PAIR + 17), jnp.int32),
            pltpu.VMEM((_N_DIM, _LANES), jnp.float32),
            pltpu.VMEM((_N_DIM, _LANES), jnp.float32),
            pltpu.VMEM((_OUT_D, _LANES), jnp.float32),
            pltpu.VMEM((_N_DIM, _LANES), jnp.float32),
            pltpu.VMEM((_N_DIM, _LANES), jnp.float32),
            pltpu.VMEM((_OUT_D, _LANES), jnp.float32),
            pltpu.SemaphoreType.DMA,
            pltpu.SemaphoreType.DMA,
            pltpu.SemaphoreType.DMA,
            pltpu.SemaphoreType.DMA,
            pltpu.SemaphoreType.DMA,
            pltpu.SemaphoreType.DMA,
        ],
    )


def kernel(input):
    inp_t = jnp.transpose(input, (1, 2, 0))
    out_t = _ffmp_sc()(
        inp_t,
        jnp.asarray(_XF).reshape(1, _N_PAIR + 17),
        jnp.asarray(_YF).reshape(1, _N_PAIR + 17),
    )
    return jnp.transpose(out_t, (2, 1, 0))

# --- scband reference (transcript-rebuilt; emitter-appended) ---
"""Pipeline reference for scband-ffmp-39745627357786 (READ-ONLY COPY).

The authoritative reference and input builder live on the scoring server;
editing this copy changes nothing except your own understanding.
"""

import jax, jax.numpy as jnp
import numpy as np

N_FEAT = 26
N_DIM = 64
BATCH = 1024

def _build_indices(n_feat):
    x_idx = []
    y_idx = []
    for i in range(n_feat):
        for j in range(i, n_feat):
            x_idx.append(i * n_feat + j)
    for j in range(n_feat):
        for i in range(j, n_feat):
            y_idx.append(i * n_feat + j)
    return jnp.asarray(np.array(x_idx, dtype=np.int64)), jnp.asarray(np.array(y_idx, dtype=np.int64))

X_IDX, Y_IDX = _build_indices(N_FEAT)

def setup_inputs(seed: int = 0) -> dict:
    key = jax.random.key(seed)
    inp = jax.random.normal(key, (BATCH, N_FEAT * N_FEAT, N_DIM), dtype=jnp.float32)
    return {"input": inp}

def reference(input) -> jnp.ndarray:
    x = jnp.take(input, X_IDX, axis=1)
    y = jnp.take(input, Y_IDX, axis=1)
    s = x + y
    d = x - y
    p = x * y
    ip = jnp.sum(x * y, axis=2, keepdims=True)
    sq = jnp.sum(d * d, axis=2, keepdims=True)
    safe = jnp.where(sq > 0, sq, 1.0)
    dist = jnp.where(sq > 0, jnp.sqrt(safe), 0.0)
    r = jnp.concatenate([s, d, p, ip, dist], axis=2)
    return r

if __name__ == "__main__":
    import jax
    _d = setup_inputs()
    print(jax.jit(kernel)(*tuple(_d.values())))

</pallas_src>

<mosaic_0001>
#map = affine_map<(d0, d1) -> (0, 0, 0)>
#map1 = affine_map<(d0, d1) -> (0, 0)>
module attributes {stable_mosaic.version = 14 : i64} {
  func.func @_ffmp_sc_body(%arg0: i32, %arg1: i32, %arg2: memref<676x64x1024xf32, #tpu.memory_space<hbm>>, %arg3: memref<1x368xi32, #tpu.memory_space<hbm>>, %arg4: memref<1x368xi32, #tpu.memory_space<hbm>>, %arg5: memref<194x351x1024xf32, #tpu.memory_space<hbm>>, %arg6: memref<1x368xi32, #tpu.memory_space<vmem>>, %arg7: memref<1x368xi32, #tpu.memory_space<vmem>>, %arg8: memref<64x128xf32, #tpu.memory_space<vmem>>, %arg9: memref<64x128xf32, #tpu.memory_space<vmem>>, %arg10: memref<194x128xf32, #tpu.memory_space<vmem>>, %arg11: memref<64x128xf32, #tpu.memory_space<vmem>>, %arg12: memref<64x128xf32, #tpu.memory_space<vmem>>, %arg13: memref<194x128xf32, #tpu.memory_space<vmem>>, %arg14: memref<!tpu.dma_semaphore, #tpu.memory_space<semaphore_mem>>, %arg15: memref<!tpu.dma_semaphore, #tpu.memory_space<semaphore_mem>>, %arg16: memref<!tpu.dma_semaphore, #tpu.memory_space<semaphore_mem>>, %arg17: memref<!tpu.dma_semaphore, #tpu.memory_space<semaphore_mem>>, %arg18: memref<!tpu.dma_semaphore, #tpu.memory_space<semaphore_mem>>, %arg19: memref<!tpu.dma_semaphore, #tpu.memory_space<semaphore_mem>>) attributes {dimension_semantics = [#tpu.dimension_semantics<core_parallel>, #tpu.dimension_semantics<subcore_parallel>], iteration_bounds = array<i64: 2, 16>, scalar_prefetch = 0 : i64, scratch_operands = 14 : i64, tpu.core_type = #tpu.core_type<sc_vector_subcore>, window_params = [{transform_indices = #map}, {transform_indices = #map1}, {transform_indices = #map1}, {transform_indices = #map}]} {
    %mul3A = arith.constant 2 : i32
    %mul3A_0 = arith.muli %arg1, %mul3A : i32
    %add3A = arith.addi %mul3A_0, %arg0 : i32
    %jit3A = arith.constant 8 : i32
    %div3A = arith.divsi %add3A, %jit3A : i32
    %sign3A = arith.constant 0 : i32
    %sign3A_1 = arith.cmpi sgt, %add3A, %sign3A : i32
    %sign3A_2 = arith.extui %sign3A_1 : i1 to i32
    %sign3A_3 = arith.constant 0 : i32
    %sign3A_4 = arith.cmpi slt, %add3A, %sign3A_3 : i32
    %sign3A_5 = arith.extui %sign3A_4 : i1 to i32
    %sign3A_6 = arith.subi %sign3A_2, %sign3A_5 : i32
    %sign3A_7 = arith.constant 0 : i32
    %sign3A_8 = arith.cmpi sgt, %jit3A, %sign3A_7 : i32
    %sign3A_9 = arith.extui %sign3A_8 : i1 to i32
    %sign3A_10 = arith.constant 0 : i32
    %sign3A_11 = arith.cmpi slt, %jit3A, %sign3A_10 : i32
    %sign3A_12 = arith.extui %sign3A_11 : i1 to i32
    %sign3A_13 = arith.subi %sign3A_9, %sign3A_12 : i32
    %ne3A = arith.cmpi ne, %sign3A_6, %sign3A_13 : i32
    %rem3A = arith.remsi %add3A, %jit3A : i32
    %ne3A_14 = arith.constant 0 : i32
    %ne3A_15 = arith.cmpi ne, %rem3A, %ne3A_14 : i32
    %and3A = arith.andi %ne3A, %ne3A_15 : i1
    %sub3A = arith.constant 1 : i32
    %sub3A_16 = arith.subi %div3A, %sub3A : i32
    %select_n3A = arith.select %and3A, %sub3A_16, %div3A : i32
    %jit3A_17 = arith.constant 8 : i32
    %eq3A = arith.constant 0 : i32
    %eq3A_18 = arith.cmpi eq, %jit3A_17, %eq3A : i32
    %jit3A_19 = arith.constant 1 : i32
    %select_n3A_20 = arith.select %eq3A_18, %jit3A_19, %jit3A_17 : i32
    %rem3A_21 = arith.remsi %add3A, %select_n3A_20 : i32
    %ne3A_22 = arith.constant 0 : i32
    %ne3A_23 = arith.cmpi ne, %rem3A_21, %ne3A_22 : i32
    %lt3A = arith.constant 0 : i32
    %lt3A_24 = arith.cmpi slt, %rem3A_21, %lt3A : i32
    %lt3A_25 = arith.constant 0 : i32
    %lt3A_26 = arith.cmpi slt, %select_n3A_20, %lt3A_25 : i32
    %ne3A_27 = arith.xori %lt3A_24, %lt3A_26 : i1
    %and3A_28 = arith.andi %ne3A_27, %ne3A_23 : i1
    %add3A_29 = arith.addi %rem3A_21, %select_n3A_20 : i32
    %select_n3A_30 = arith.select %and3A_28, %add3A_29, %rem3A_21 : i32
    %mul3A_31 = arith.constant 128 : i32
    %mul3A_32 = arith.muli %select_n3A_30, %mul3A_31 : i32
    %mul3A_33 = arith.constant 88 : i32
    %mul3A_34 = arith.muli %select_n3A, %mul3A_33 : i32
    %add3A_35 = arith.constant 88 : i32
    %add3A_36 = arith.addi %mul3A_34, %add3A_35 : i32
    %min3A = arith.constant 351 : i32
    %min3A_37 = arith.minsi %add3A_36, %min3A : i32
    %sub3A_38 = arith.constant 1 : i32
    %sub3A_39 = arith.subi %min3A_37, %sub3A_38 : i32
    "tpu.region"() ({
      %run_scoped3A = tpu.sem_alloc : memref<!tpu.dma_semaphore, #tpu.memory_space<semaphore_mem>>
      tpu.enqueue_dma source(%arg3 : memref<1x368xi32, #tpu.memory_space<hbm>>) target(%arg6 : memref<1x368xi32, #tpu.memory_space<vmem>>) target_semaphore(%run_scoped3A : memref<!tpu.dma_semaphore, #tpu.memory_space<semaphore_mem>>)
      tpu.wait_dma2 semaphore(%run_scoped3A : memref<!tpu.dma_semaphore, #tpu.memory_space<semaphore_mem>>) src(%arg3 : memref<1x368xi32, #tpu.memory_space<hbm>>) dst(%arg6 : memref<1x368xi32, #tpu.memory_space<vmem>>)
      tpu.yield
    }) : () -> ()
    "tpu.region"() ({
      %run_scoped3A = tpu.sem_alloc : memref<!tpu.dma_semaphore, #tpu.memory_space<semaphore_mem>>
      tpu.enqueue_dma source(%arg4 : memref<1x368xi32, #tpu.memory_space<hbm>>) target(%arg7 : memref<1x368xi32, #tpu.memory_space<vmem>>) target_semaphore(%run_scoped3A : memref<!tpu.dma_semaphore, #tpu.memory_space<semaphore_mem>>)
      tpu.wait_dma2 semaphore(%run_scoped3A : memref<!tpu.dma_semaphore, #tpu.memory_space<semaphore_mem>>) src(%arg4 : memref<1x368xi32, #tpu.memory_space<hbm>>) dst(%arg7 : memref<1x368xi32, #tpu.memory_space<vmem>>)
      tpu.yield
    }) : () -> ()
    %min3A_40 = arith.minsi %mul3A_34, %sub3A_39 : i32
    %get3A = arith.constant 0 : i32
    %get3A_41 = arith.index_cast %get3A : i32 to index
    %get3A_42 = arith.index_cast %min3A_40 : i32 to index
    %get3A_43 = tpu.vector_load %arg6[%get3A_41, %get3A_42] {strides = array<i32>} : memref<1x368xi32, #tpu.memory_space<vmem>>, vector<16xi32>,
    %slice3A = vector.extract_strided_slice %get3A_43 {offsets = [0], sizes = [1], strides = [1]} : vector<16xi32> to vector<1xi32>
    %squeeze3A = vector.extract %slice3A[0] : i32 from vector<1xi32>
    %get3A_44 = arith.constant 0 : i32
    %get3A_45 = arith.index_cast %get3A_44 : i32 to index
    %get3A_46 = arith.index_cast %min3A_40 : i32 to index
    %get3A_47 = tpu.vector_load %arg7[%get3A_45, %get3A_46] {strides = array<i32>} : memref<1x368xi32, #tpu.memory_space<vmem>>, vector<16xi32>,
    %slice3A_48 = vector.extract_strided_slice %get3A_47 {offsets = [0], sizes = [1], strides = [1]} : vector<16xi32> to vector<1xi32>
    %squeeze3A_49 = vector.extract %slice3A_48[0] : i32 from vector<1xi32>
    %dma_start3A = arith.constant 0 : i32
    %dma_start3A_50 = tpu.memref_slice %arg2[%squeeze3A, %dma_start3A, %mul3A_32] : memref<676x64x1024xf32, #tpu.memory_space<hbm>> -> memref<1x64x128xf32, #tpu.memory_space<hbm>>
    %dma_start3A_51 = tpu.memref_squeeze %dma_start3A_50 : memref<1x64x128xf32, #tpu.memory_space<hbm>> -> memref<64x128xf32, #tpu.memory_space<hbm>>
    %dma_start3A_52 = arith.constant 0 : i32
    %dma_start3A_53 = tpu.memref_slice %arg2[%squeeze3A, %dma_start3A_52, %mul3A_32] : memref<676x64x1024xf32, #tpu.memory_space<hbm>> -> memref<1x64x128xf32, #tpu.memory_space<hbm>>
    %dma_start3A_54 = tpu.memref_squeeze %dma_start3A_53 : memref<1x64x128xf32, #tpu.memory_space<hbm>> -> memref<64x128xf32, #tpu.memory_space<hbm>>
    tpu.enqueue_dma source(%dma_start3A_54 : memref<64x128xf32, #tpu.memory_space<hbm>>) target(%arg8 : memref<64x128xf32, #tpu.memory_space<vmem>>) target_semaphore(%arg14 : memref<!tpu.dma_semaphore, #tpu.memory_space<semaphore_mem>>)
    %dma_start3A_55 = arith.constant 0 : i32
    %dma_start3A_56 = tpu.memref_slice %arg2[%squeeze3A_49, %dma_start3A_55, %mul3A_32] : memref<676x64x1024xf32, #tpu.memory_space<hbm>> -> memref<1x64x128xf32, #tpu.memory_space<hbm>>
    %dma_start3A_57 = tpu.memref_squeeze %dma_start3A_56 : memref<1x64x128xf32, #tpu.memory_space<hbm>> -> memref<64x128xf32, #tpu.memory_space<hbm>>
    %dma_start3A_58 = arith.constant 0 : i32
    %dma_start3A_59 = tpu.memref_slice %arg2[%squeeze3A_49, %dma_start3A_58, %mul3A_32] : memref<676x64x1024xf32, #tpu.memory_space<hbm>> -> memref<1x64x128xf32, #tpu.memory_space<hbm>>
    %dma_start3A_60 = tpu.memref_squeeze %dma_start3A_59 : memref<1x64x128xf32, #tpu.memory_space<hbm>> -> memref<64x128xf32, #tpu.memory_space<hbm>>
    tpu.enqueue_dma source(%dma_start3A_60 : memref<64x128xf32, #tpu.memory_space<hbm>>) target(%arg9 : memref<64x128xf32, #tpu.memory_space<vmem>>) target_semaphore(%arg15 : memref<!tpu.dma_semaphore, #tpu.memory_space<semaphore_mem>>)
    %add3A_61 = arith.constant 1 : i32
    %add3A_62 = arith.addi %mul3A_34, %add3A_61 : i32
    %min3A_63 = arith.minsi %add3A_62, %sub3A_39 : i32
    %get3A_64 = arith.constant 0 : i32
    %get3A_65 = arith.index_cast %get3A_64 : i32 to index
    %get3A_66 = arith.index_cast %min3A_63 : i32 to index
    %get3A_67 = tpu.vector_load %arg6[%get3A_65, %get3A_66] {strides = array<i32>} : memref<1x368xi32, #tpu.memory_space<vmem>>, vector<16xi32>,
    %slice3A_68 = vector.extract_strided_slice %get3A_67 {offsets = [0], sizes = [1], strides = [1]} : vector<16xi32> to vector<1xi32>
    %squeeze3A_69 = vector.extract %slice3A_68[0] : i32 from vector<1xi32>
    %get3A_70 = arith.constant 0 : i32
    %get3A_71 = arith.index_cast %get3A_70 : i32 to index
    %get3A_72 = arith.index_cast %min3A_63 : i32 to index
    %get3A_73 = tpu.vector_load %arg7[%get3A_71, %get3A_72] {strides = array<i32>} : memref<1x368xi32, #tpu.memory_space<vmem>>, vector<16xi32>,
    %slice3A_74 = vector.extract_strided_slice %get3A_73 {offsets = [0], sizes = [1], strides = [1]} : vector<16xi32> to vector<1xi32>
    %squeeze3A_75 = vector.extract %slice3A_74[0] : i32 from vector<1xi32>
    %dma_start3A_76 = arith.constant 0 : i32
    %dma_start3A_77 = tpu.memref_slice %arg2[%squeeze3A_69, %dma_start3A_76, %mul3A_32] : memref<676x64x1024xf32, #tpu.memory_space<hbm>> -> memref<1x64x128xf32, #tpu.memory_space<hbm>>
    %dma_start3A_78 = tpu.memref_squeeze %dma_start3A_77 : memref<1x64x128xf32, #tpu.memory_space<hbm>> -> memref<64x128xf32, #tpu.memory_space<hbm>>
    %dma_start3A_79 = arith.constant 0 : i32
    %dma_start3A_80 = tpu.memref_slice %arg2[%squeeze3A_69, %dma_start3A_79, %mul3A_32] : memref<676x64x1024xf32, #tpu.memory_space<hbm>> -> memref<1x64x128xf32, #tpu.memory_space<hbm>>
    %dma_start3A_81 = tpu.memref_squeeze %dma_start3A_80 : memref<1x64x128xf32, #tpu.memory_space<hbm>> -> memref<64x128xf32, #tpu.memory_space<hbm>>
    tpu.enqueue_dma source(%dma_start3A_81 : memref<64x128xf32, #tpu.memory_space<hbm>>) target(%arg11 : memref<64x128xf32, #tpu.memory_space<vmem>>) target_semaphore(%arg17 : memref<!tpu.dma_semaphore, #tpu.memory_space<semaphore_mem>>)
    %dma_start3A_82 = arith.constant 0 : i32
    %dma_start3A_83 = tpu.memref_slice %arg2[%squeeze3A_75, %dma_start3A_82, %mul3A_32] : memref<676x64x1024xf32, #tpu.memory_space<hbm>> -> memref<1x64x128xf32, #tpu.memory_space<hbm>>
    %dma_start3A_84 = tpu.memref_squeeze %dma_start3A_83 : memref<1x64x128xf32, #tpu.memory_space<hbm>> -> memref<64x128xf32, #tpu.memory_space<hbm>>
    %dma_start3A_85 = arith.constant 0 : i32
    %dma_start3A_86 = tpu.memref_slice %arg2[%squeeze3A_75, %dma_start3A_85, %mul3A_32] : memref<676x64x1024xf32, #tpu.memory_space<hbm>> -> memref<1x64x128xf32, #tpu.memory_space<hbm>>
    %dma_start3A_87 = tpu.memref_squeeze %dma_start3A_86 : memref<1x64x128xf32, #tpu.memory_space<hbm>> -> memref<64x128xf32, #tpu.memory_space<hbm>>
    tpu.enqueue_dma source(%dma_start3A_87 : memref<64x128xf32, #tpu.memory_space<hbm>>) target(%arg12 : memref<64x128xf32, #tpu.memory_space<vmem>>) target_semaphore(%arg18 : memref<!tpu.dma_semaphore, #tpu.memory_space<semaphore_mem>>)
    %scan3A = arith.constant 0 : i32
    %scan3A_88 = arith.constant 0 : i32
    %scan3A_89 = arith.constant 44 : i32
    %scan3A_90 = arith.addi %scan3A_88, %scan3A_89 : i32
    %scan3A_91 = arith.constant 1 : i32
    scf.for %scan3A_134 = %scan3A_88 to %scan3A_90 step %scan3A_91  : i32 {
      %mul3A_135 = arith.constant 2 : i32
      %mul3A_136 = arith.muli %mul3A_135, %scan3A_134 : i32
      %add3A_137 = arith.addi %mul3A_34, %mul3A_136 : i32
      %add3A_138 = arith.constant 0 : i32
      %add3A_139 = arith.addi %add3A_137, %add3A_138 : i32
      %min3A_140 = arith.minsi %add3A_139, %sub3A_39 : i32
      %dma_wait3A_141 = arith.constant 0 : i32
      %dma_wait3A_142 = arith.constant 0 : i32
      %dma_wait3A_143 = tpu.memref_slice %arg2[%dma_wait3A_141, %dma_wait3A_142, %mul3A_32] : memref<676x64x1024xf32, #tpu.memory_space<hbm>> -> memref<1x64x128xf32, #tpu.memory_space<hbm>>
      %dma_wait3A_144 = tpu.memref_squeeze %dma_wait3A_143 : memref<1x64x128xf32, #tpu.memory_space<hbm>> -> memref<64x128xf32, #tpu.memory_space<hbm>>
      %dma_wait3A_145 = arith.constant 0 : i32
      %dma_wait3A_146 = tpu.memref_slice %arg2[%dma_wait3A_141, %dma_wait3A_145, %mul3A_32] : memref<676x64x1024xf32, #tpu.memory_space<hbm>> -> memref<1x64x128xf32, #tpu.memory_space<hbm>>
      %dma_wait3A_147 = tpu.memref_squeeze %dma_wait3A_146 : memref<1x64x128xf32, #tpu.memory_space<hbm>> -> memref<64x128xf32, #tpu.memory_space<hbm>>
      tpu.wait_dma2 semaphore(%arg14 : memref<!tpu.dma_semaphore, #tpu.memory_space<semaphore_mem>>) src(%dma_wait3A_147 : memref<64x128xf32, #tpu.memory_space<hbm>>) dst(%arg8 : memref<64x128xf32, #tpu.memory_space<vmem>>)
      %dma_wait3A_148 = arith.constant 0 : i32
      %dma_wait3A_149 = arith.constant 0 : i32
      %dma_wait3A_150 = tpu.memref_slice %arg2[%dma_wait3A_148, %dma_wait3A_149, %mul3A_32] : memref<676x64x1024xf32, #tpu.memory_space<hbm>> -> memref<1x64x128xf32, #tpu.memory_space<hbm>>
      %dma_wait3A_151 = tpu.memref_squeeze %dma_wait3A_150 : memref<1x64x128xf32, #tpu.memory_space<hbm>> -> memref<64x128xf32, #tpu.memory_space<hbm>>
      %dma_wait3A_152 = arith.constant 0 : i32
      %dma_wait3A_153 = tpu.memref_slice %arg2[%dma_wait3A_148, %dma_wait3A_152, %mul3A_32] : memref<676x64x1024xf32, #tpu.memory_space<hbm>> -> memref<1x64x128xf32, #tpu.memory_space<hbm>>
      %dma_wait3A_154 = tpu.memref_squeeze %dma_wait3A_153 : memref<1x64x128xf32, #tpu.memory_space<hbm>> -> memref<64x128xf32, #tpu.memory_space<hbm>>
      tpu.wait_dma2 semaphore(%arg15 : memref<!tpu.dma_semaphore, #tpu.memory_space<semaphore_mem>>) src(%dma_wait3A_154 : memref<64x128xf32, #tpu.memory_space<hbm>>) dst(%arg9 : memref<64x128xf32, #tpu.memory_space<vmem>>)
      %ge3A = arith.constant 1 : i32
      %ge3A_155 = arith.cmpi sge, %scan3A_134, %ge3A : i32
      %convert_element_type3A = arith.extui %ge3A_155 : i1 to i32
      %cond3A = arith.constant 0 : i32
      %cond3A_156 = arith.cmpi ne, %convert_element_type3A, %cond3A : i32
      scf.if %cond3A_156 {
        %dma_wait3A_1129 = arith.constant 0 : i32
        %dma_wait3A_1130 = arith.constant 0 : i32
        %dma_wait3A_1131 = tpu.memref_slice %arg5[%dma_wait3A_1130, %dma_wait3A_1129, %mul3A_32] : memref<194x351x1024xf32, #tpu.memory_space<hbm>> -> memref<194x1x128xf32, #tpu.memory_space<hbm>>
        %dma_wait3A_1132 = tpu.memref_squeeze %dma_wait3A_1131 : memref<194x1x128xf32, #tpu.memory_space<hbm>> -> memref<194x128xf32, #tpu.memory_space<hbm>>
        %dma_wait3A_1133 = arith.constant 0 : i32
        %dma_wait3A_1134 = tpu.memref_slice %arg5[%dma_wait3A_1133, %dma_wait3A_1129, %mul3A_32] : memref<194x351x1024xf32, #tpu.memory_space<hbm>> -> memref<194x1x128xf32, #tpu.memory_space<hbm>>
        %dma_wait3A_1135 = tpu.memref_squeeze %dma_wait3A_1134 : memref<194x1x128xf32, #tpu.memory_space<hbm>> -> memref<194x128xf32, #tpu.memory_space<hbm>>
        tpu.wait_dma2 semaphore(%arg16 : memref<!tpu.dma_semaphore, #tpu.memory_space<semaphore_mem>>) src(%arg10 : memref<194x128xf32, #tpu.memory_space<vmem>>) dst(%dma_wait3A_1135 : memref<194x128xf32, #tpu.memory_space<hbm>>)
      } else {
      }
      %broadcast_in_dim3A = arith.constant 0.000000e+00 : f32
      %broadcast_in_dim3A_157 = vector.broadcast %broadcast_in_dim3A : f32 to vector<16xf32>
      %broadcast_in_dim3A_158 = arith.constant 0.000000e+00 : f32
      %broadcast_in_dim3A_159 = vector.broadcast %broadcast_in_dim3A_158 : f32 to vector<16xf32>
      %broadcast_in_dim3A_160 = arith.constant 0.000000e+00 : f32
      %broadcast_in_dim3A_161 = vector.broadcast %broadcast_in_dim3A_160 : f32 to vector<16xf32>
      %broadcast_in_dim3A_162 = arith.constant 0.000000e+00 : f32
      %broadcast_in_dim3A_163 = vector.broadcast %broadcast_in_dim3A_162 : f32 to vector<16xf32>
      %broadcast_in_dim3A_164 = arith.constant 0.000000e+00 : f32
      %broadcast_in_dim3A_165 = vector.broadcast %broadcast_in_dim3A_164 : f32 to vector<16xf32>
      %broadcast_in_dim3A_166 = arith.constant 0.000000e+00 : f32
      %broadcast_in_dim3A_167 = vector.broadcast %broadcast_in_dim3A_166 : f32 to vector<16xf32>
      %broadcast_in_dim3A_168 = arith.constant 0.000000e+00 : f32
      %broadcast_in_dim3A_169 = vector.broadcast %broadcast_in_dim3A_168 : f32 to vector<16xf32>
      %broadcast_in_dim3A_170 = arith.constant 0.000000e+00 : f32
      %broadcast_in_dim3A_171 = vector.broadcast %broadcast_in_dim3A_170 : f32 to vector<16xf32>
      %broadcast_in_dim3A_172 = arith.constant 0.000000e+00 : f32
      %broadcast_in_dim3A_173 = vector.broadcast %broadcast_in_dim3A_172 : f32 to vector<16xf32>
      %broadcast_in_dim3A_174 = arith.constant 0.000000e+00 : f32
      %broadcast_in_dim3A_175 = vector.broadcast %broadcast_in_dim3A_174 : f32 to vector<16xf32>
      %broadcast_in_dim3A_176 = arith.constant 0.000000e+00 : f32
      %broadcast_in_dim3A_177 = vector.broadcast %broadcast_in_dim3A_176 : f32 to vector<16xf32>
      %broadcast_in_dim3A_178 = arith.constant 0.000000e+00 : f32
      %broadcast_in_dim3A_179 = vector.broadcast %broadcast_in_dim3A_178 : f32 to vector<16xf32>
      %broadcast_in_dim3A_180 = arith.constant 0.000000e+00 : f32
      %broadcast_in_dim3A_181 = vector.broadcast %broadcast_in_dim3A_180 : f32 to vector<16xf32>
      %broadcast_in_dim3A_182 = arith.constant 0.000000e+00 : f32
      %broadcast_in_dim3A_183 = vector.broadcast %broadcast_in_dim3A_182 : f32 to vector<16xf32>
      %broadcast_in_dim3A_184 = arith.constant 0.000000e+00 : f32
      %broadcast_in_dim3A_185 = vector.broadcast %broadcast_in_dim3A_184 : f32 to vector<16xf32>
      %broadcast_in_dim3A_186 = arith.constant 0.000000e+00 : f32
      %broadcast_in_dim3A_187 = vector.broadcast %broadcast_in_dim3A_186 : f32 to vector<16xf32>
      %scan3A_188 = arith.constant 0 : i32
      %scan3A_189 = arith.constant 64 : i32
      %scan3A_190 = arith.addi %scan3A_188, %scan3A_189 : i32
      %scan3A_191 = arith.constant 1 : i32
      %scan3A_192:16 = scf.for %scan3A_1129 = %scan3A_188 to %scan3A_190 step %scan3A_191 iter_args(%scan3A_1130 = %broadcast_in_dim3A_157, %scan3A_1131 = %broadcast_in_dim3A_159, %scan3A_1132 = %broadcast_in_dim3A_161, %scan3A_1133 = %broadcast_in_dim3A_163, %scan3A_1134 = %broadcast_in_dim3A_165, %scan3A_1135 = %broadcast_in_dim3A_167, %scan3A_1136 = %broadcast_in_dim3A_169, %scan3A_1137 = %broadcast_in_dim3A_171, %scan3A_1138 = %broadcast_in_dim3A_173, %scan3A_1139 = %broadcast_in_dim3A_175, %scan3A_1140 = %broadcast_in_dim3A_177, %scan3A_1141 = %broadcast_in_dim3A_179, %scan3A_1142 = %broadcast_in_dim3A_181, %scan3A_1143 = %broadcast_in_dim3A_183, %scan3A_1144 = %broadcast_in_dim3A_185, %scan3A_1145 = %broadcast_in_dim3A_187) -> (vector<16xf32>, vector<16xf32>, vector<16xf32>, vector<16xf32>, vector<16xf32>, vector<16xf32>, vector<16xf32>, vector<16xf32>, vector<16xf32>, vector<16xf32>, vector<16xf32>, vector<16xf32>, vector<16xf32>, vector<16xf32>, vector<16xf32>, vector<16xf32>)  : i32 {
        %get3A_1146 = arith.index_cast %scan3A_1129 : i32 to index
        %get3A_1147 = arith.constant 0 : index
        %get3A_1148 = tpu.vector_load %arg8[%get3A_1146, %get3A_1147] {strides = array<i32>} : memref<64x128xf32, #tpu.memory_space<vmem>>, vector<16xf32>,
        %get3A_1149 = arith.index_cast %scan3A_1129 : i32 to index
        %get3A_1150 = arith.constant 0 : index
        %get3A_1151 = tpu.vector_load %arg9[%get3A_1149, %get3A_1150] {strides = array<i32>} : memref<64x128xf32, #tpu.memory_space<vmem>>, vector<16xf32>,
        %add3A_1152 = arith.addf %get3A_1148, %get3A_1151 : vector<16xf32>
        %sub3A_1153 = arith.subf %get3A_1148, %get3A_1151 : vector<16xf32>
        %mul3A_1154 = arith.mulf %get3A_1148, %get3A_1151 : vector<16xf32>
        %swap3A_1155 = arith.index_cast %scan3A_1129 : i32 to index
        %swap3A_1156 = arith.constant 0 : index
        %swap3A_1157 = tpu.vector_load %arg10[%swap3A_1155, %swap3A_1156] {strides = array<i32>} : memref<194x128xf32, #tpu.memory_space<vmem>>, vector<16xf32>,
        tpu.vector_store %arg10[%swap3A_1155, %swap3A_1156], %add3A_1152 {strides = array<i32>} : memref<194x128xf32, #tpu.memory_space<vmem>>, vector<16xf32>,
        %add3A_1158 = arith.constant 64 : i32
        %add3A_1159 = arith.addi %add3A_1158, %scan3A_1129 : i32
        %swap3A_1160 = arith.index_cast %add3A_1159 : i32 to index
        %swap3A_1161 = arith.constant 0 : index
        %swap3A_1162 = tpu.vector_load %arg10[%swap3A_1160, %swap3A_1161] {strides = array<i32>} : memref<194x128xf32, #tpu.memory_space<vmem>>, vector<16xf32>,
        tpu.vector_store %arg10[%swap3A_1160, %swap3A_1161], %sub3A_1153 {strides = array<i32>} : memref<194x128xf32, #tpu.memory_space<vmem>>, vector<16xf32>,
        %add3A_1163 = arith.constant 128 : i32
        %add3A_1164 = arith.addi %add3A_1163, %scan3A_1129 : i32
        %swap3A_1165 = arith.index_cast %add3A_1164 : i32 to index
        %swap3A_1166 = arith.constant 0 : index
        %swap3A_1167 = tpu.vector_load %arg10[%swap3A_1165, %swap3A_1166] {strides = array<i32>} : memref<194x128xf32, #tpu.memory_space<vmem>>, vector<16xf32>,
        tpu.vector_store %arg10[%swap3A_1165, %swap3A_1166], %mul3A_1154 {strides = array<i32>} : memref<194x128xf32, #tpu.memory_space<vmem>>, vector<16xf32>,
        %add3A_1168 = arith.addf %scan3A_1130, %mul3A_1154 : vector<16xf32>
        %mul3A_1169 = arith.mulf %sub3A_1153, %sub3A_1153 : vector<16xf32>
        %add3A_1170 = arith.addf %scan3A_1131, %mul3A_1169 : vector<16xf32>
        %get3A_1171 = arith.index_cast %scan3A_1129 : i32 to index
        %get3A_1172 = arith.constant 16 : index
        %get3A_1173 = tpu.vector_load %arg8[%get3A_1171, %get3A_1172] {strides = array<i32>} : memref<64x128xf32, #tpu.memory_space<vmem>>, vector<16xf32>,
        %get3A_1174 = arith.index_cast %scan3A_1129 : i32 to index
        %get3A_1175 = arith.constant 16 : index
        %get3A_1176 = tpu.vector_load %arg9[%get3A_1174, %get3A_1175] {strides = array<i32>} : memref<64x128xf32, #tpu.memory_space<vmem>>, vector<16xf32>,
        %add3A_1177 = arith.addf %get3A_1173, %get3A_1176 : vector<16xf32>
        %sub3A_1178 = arith.subf %get3A_1173, %get3A_1176 : vector<16xf32>
        %mul3A_1179 = arith.mulf %get3A_1173, %get3A_1176 : vector<16xf32>
        %swap3A_1180 = arith.index_cast %scan3A_1129 : i32 to index
        %swap3A_1181 = arith.constant 16 : index
        %swap3A_1182 = tpu.vector_load %arg10[%swap3A_1180, %swap3A_1181] {strides = array<i32>} : memref<194x128xf32, #tpu.memory_space<vmem>>, vector<16xf32>,
        tpu.vector_store %arg10[%swap3A_1180, %swap3A_1181], %add3A_1177 {strides = array<i32>} : memref<194x128xf32, #tpu.memory_space<vmem>>, vector<16xf32>,
        %add3A_1183 = arith.constant 64 : i32
        %add3A_1184 = arith.addi %add3A_1183, %scan3A_1129 : i32
        %swap3A_1185 = arith.index_cast %add3A_1184 : i32 to index
        %swap3A_1186 = arith.constant 16 : index
        %swap3A_1187 = tpu.vector_load %arg10[%swap3A_1185, %swap3A_1186] {strides = array<i32>} : memref<194x128xf32, #tpu.memory_space<vmem>>, vector<16xf32>,
        tpu.vector_store %arg10[%swap3A_1185, %swap3A_1186], %sub3A_1178 {strides = array<i32>} : memref<194x128xf32, #tpu.memory_space<vmem>>, vector<16xf32>,
        %add3A_1188 = arith.constant 128 : i32
        %add3A_1189 = arith.addi %add3A_1188, %scan3A_1129 : i32
        %swap3A_1190 = arith.index_cast %add3A_1189 : i32 to index
        %swap3A_1191 = arith.constant 16 : index
        %swap3A_1192 = tpu.vector_load %arg10[%swap3A_1190, %swap3A_1191] {strides = array<i32>} : memref<194x128xf32, #tpu.memory_space<vmem>>, vector<16xf32>,
        tpu.vector_store %arg10[%swap3A_1190, %swap3A_1191], %mul3A_1179 {strides = array<i32>} : memref<194x128xf32, #tpu.memory_space<vmem>>, vector<16xf32>,
        %add3A_1193 = arith.addf %scan3A_1132, %mul3A_1179 : vector<16xf32>
        %mul3A_1194 = arith.mulf %sub3A_1178, %sub3A_1178 : vector<16xf32>
        %add3A_1195 = arith.addf %scan3A_1133, %mul3A_1194 : vector<16xf32>
        %get3A_1196 = arith.index_cast %scan3A_1129 : i32 to index
        %get3A_1197 = arith.constant 32 : index
        %get3A_1198 = tpu.vector_load %arg8[%get3A_1196, %get3A_1197] {strides = array<i32>} : memref<64x128xf32, #tpu.memory_space<vmem>>, vector<16xf32>,
        %get3A_1199 = arith.index_cast %scan3A_1129 : i32 to index
        %get3A_1200 = arith.constant 32 : index
        %get3A_1201 = tpu.vector_load %arg9[%get3A_1199, %get3A_1200] {strides = array<i32>} : memref<64x128xf32, #tpu.memory_space<vmem>>, vector<16xf32>,
        %add3A_1202 = arith.addf %get3A_1198, %get3A_1201 : vector<16xf32>
        %sub3A_1203 = arith.subf %get3A_1198, %get3A_1201 : vector<16xf32>
        %mul3A_1204 = arith.mulf %get3A_1198, %get3A_1201 : vector<16xf32>
        %swap3A_1205 = arith.index_cast %scan3A_1129 : i32 to index
        %swap3A_1206 = arith.constant 32 : index
        %swap3A_1207 = tpu.vector_load %arg10[%swap3A_1205, %swap3A_1206] {strides = array<i32>} : memref<194x128xf32, #tpu.memory_space<vmem>>, vector<16xf32>,
        tpu.vector_store %arg10[%swap3A_1205, %swap3A_1206], %add3A_1202 {strides = array<i32>} : memref<194x128xf32, #tpu.memory_space<vmem>>, vector<16xf32>,
        %add3A_1208 = arith.constant 64 : i32
        %add3A_1209 = arith.addi %add3A_1208, %scan3A_1129 : i32
        %swap3A_1210 = arith.index_cast %add3A_1209 : i32 to index
        %swap3A_1211 = arith.constant 32 : index
        %swap3A_1212 = tpu.vector_load %arg10[%swap3A_1210, %swap3A_1211] {strides = array<i32>} : memref<194x128xf32, #tpu.memory_space<vmem>>, vector<16xf32>,
        tpu.vector_store %arg10[%swap3A_1210, %swap3A_1211], %sub3A_1203 {strides = array<i32>} : memref<194x128xf32, #tpu.memory_space<vmem>>, vector<16xf32>,
        %add3A_1213 = arith.constant 128 : i32
        %add3A_1214 = arith.addi %add3A_1213, %scan3A_1129 : i32
        %swap3A_1215 = arith.index_cast %add3A_1214 : i32 to index
        %swap3A_1216 = arith.constant 32 : index
        %swap3A_1217 = tpu.vector_load %arg10[%swap3A_1215, %swap3A_1216] {strides = array<i32>} : memref<194x128xf32, #tpu.memory_space<vmem>>, vector<16xf32>,
        tpu.vector_store %arg10[%swap3A_1215, %swap3A_1216], %mul3A_1204 {strides = array<i32>} : memref<194x128xf32, #tpu.memory_space<vmem>>, vector<16xf32>,
        %add3A_1218 = arith.addf %scan3A_1134, %mul3A_1204 : vector<16xf32>
        %mul3A_1219 = arith.mulf %sub3A_1203, %sub3A_1203 : vector<16xf32>
        %add3A_1220 = arith.addf %scan3A_1135, %mul3A_1219 : vector<16xf32>
        %get3A_1221 = arith.index_cast %scan3A_1129 : i32 to index
        %get3A_1222 = arith.constant 48 : index
        %get3A_1223 = tpu.vector_load %arg8[%get3A_1221, %get3A_1222] {strides = array<i32>} : memref<64x128xf32, #tpu.memory_space<vmem>>, vector<16xf32>,
        %get3A_1224 = arith.index_cast %scan3A_1129 : i32 to index
        %get3A_1225 = arith.constant 48 : index
        %get3A_1226 = tpu.vector_load %arg9[%get3A_1224, %get3A_1225] {strides = array<i32>} : memref<64x128xf32, #tpu.memory_space<vmem>>, vector<16xf32>,
        %add3A_1227 = arith.addf %get3A_1223, %get3A_1226 : vector<16xf32>
        %sub3A_1228 = arith.subf %get3A_1223, %get3A_1226 : vector<16xf32>
        %mul3A_1229 = arith.mulf %get3A_1223, %get3A_1226 : vector<16xf32>
        %swap3A_1230 = arith.index_cast %scan3A_1129 : i32 to index
        %swap3A_1231 = arith.constant 48 : index
        %swap3A_1232 = tpu.vector_load %arg10[%swap3A_1230, %swap3A_1231] {strides = array<i32>} : memref<194x128xf32, #tpu.memory_space<vmem>>, vector<16xf32>,
        tpu.vector_store %arg10[%swap3A_1230, %swap3A_1231], %add3A_1227 {strides = array<i32>} : memref<194x128xf32, #tpu.memory_space<vmem>>, vector<16xf32>,
        %add3A_1233 = arith.constant 64 : i32
        %add3A_1234 = arith.addi %add3A_1233, %scan3A_1129 : i32
        %swap3A_1235 = arith.index_cast %add3A_1234 : i32 to index
        %swap3A_1236 = arith.constant 48 : index
        %swap3A_1237 = tpu.vector_load %arg10[%swap3A_1235, %swap3A_1236] {strides = array<i32>} : memref<194x128xf32, #tpu.memory_space<vmem>>, vector<16xf32>,
        tpu.vector_store %arg10[%swap3A_1235, %swap3A_1236], %sub3A_1228 {strides = array<i32>} : memref<194x128xf32, #tpu.memory_space<vmem>>, vector<16xf32>,
        %add3A_1238 = arith.constant 128 : i32
        %add3A_1239 = arith.addi %add3A_1238, %scan3A_1129 : i32
        %swap3A_1240 = arith.index_cast %add3A_1239 : i32 to index
        %swap3A_1241 = arith.constant 48 : index
        %swap3A_1242 = tpu.vector_load %arg10[%swap3A_1240, %swap3A_1241] {strides = array<i32>} : memref<194x128xf32, #tpu.memory_space<vmem>>, vector<16xf32>,
        tpu.vector_store %arg10[%swap3A_1240, %swap3A_1241], %mul3A_1229 {strides = array<i32>} : memref<194x128xf32, #tpu.memory_space<vmem>>, vector<16xf32>,
        %add3A_1243 = arith.addf %scan3A_1136, %mul3A_1229 : vector<16xf32>
        %mul3A_1244 = arith.mulf %sub3A_1228, %sub3A_1228 : vector<16xf32>
        %add3A_1245 = arith.addf %scan3A_1137, %mul3A_1244 : vector<16xf32>
        %get3A_1246 = arith.index_cast %scan3A_1129 : i32 to index
        %get3A_1247 = arith.constant 64 : index
        %get3A_1248 = tpu.vector_load %arg8[%get3A_1246, %get3A_1247] {strides = array<i32>} : memref<64x128xf32, #tpu.memory_space<vmem>>, vector<16xf32>,
        %get3A_1249 = arith.index_cast %scan3A_1129 : i32 to index
        %get3A_1250 = arith.constant 64 : index
        %get3A_1251 = tpu.vector_load %arg9[%get3A_1249, %get3A_1250] {strides = array<i32>} : memref<64x128xf32, #tpu.memory_space<vmem>>, vector<16xf32>,
        %add3A_1252 = arith.addf %get3A_1248, %get3A_1251 : vector<16xf32>
        %sub3A_1253 = arith.subf %get3A_1248, %get3A_1251 : vector<16xf32>
        %mul3A_1254 = arith.mulf %get3A_1248, %get3A_1251 : vector<16xf32>
        %swap3A_1255 = arith.index_cast %scan3A_1129 : i32 to index
        %swap3A_1256 = arith.constant 64 : index
        %swap3A_1257 = tpu.vector_load %arg10[%swap3A_1255, %swap3A_1256] {strides = array<i32>} : memref<194x128xf32, #tpu.memory_space<vmem>>, vector<16xf32>,
        tpu.vector_store %arg10[%swap3A_1255, %swap3A_1256], %add3A_1252 {strides = array<i32>} : memref<194x128xf32, #tpu.memory_space<vmem>>, vector<16xf32>,
        %add3A_1258 = arith.constant 64 : i32
        %add3A_1259 = arith.addi %add3A_1258, %scan3A_1129 : i32
        %swap3A_1260 = arith.index_cast %add3A_1259 : i32 to index
        %swap3A_1261 = arith.constant 64 : index
        %swap3A_1262 = tpu.vector_load %arg10[%swap3A_1260, %swap3A_1261] {strides = array<i32>} : memref<194x128xf32, #tpu.memory_space<vmem>>, vector<16xf32>,
        tpu.vector_store %arg10[%swap3A_1260, %swap3A_1261], %sub3A_1253 {strides = array<i32>} : memref<194x128xf32, #tpu.memory_space<vmem>>, vector<16xf32>,
        %add3A_1263 = arith.constant 128 : i32
        %add3A_1264 = arith.addi %add3A_1263, %scan3A_1129 : i32
        %swap3A_1265 = arith.index_cast %add3A_1264 : i32 to index
        %swap3A_1266 = arith.constant 64 : index
        %swap3A_1267 = tpu.vector_load %arg10[%swap3A_1265, %swap3A_1266] {strides = array<i32>} : memref<194x128xf32, #tpu.memory_space<vmem>>, vector<16xf32>,
        tpu.vector_store %arg10[%swap3A_1265, %swap3A_1266], %mul3A_1254 {strides = array<i32>} : memref<194x128xf32, #tpu.memory_space<vmem>>, vector<16xf32>,
        %add3A_1268 = arith.addf %scan3A_1138, %mul3A_1254 : vector<16xf32>
        %mul3A_1269 = arith.mulf %sub3A_1253, %sub3A_1253 : vector<16xf32>
        %add3A_1270 = arith.addf %scan3A_1139, %mul3A_1269 : vector<16xf32>
        %get3A_1271 = arith.index_cast %scan3A_1129 : i32 to index
        %get3A_1272 = arith.constant 80 : index
        %get3A_1273 = tpu.vector_load %arg8[%get3A_1271, %get3A_1272] {strides = array<i32>} : memref<64x128xf32, #tpu.memory_space<vmem>>, vector<16xf32>,
        %get3A_1274 = arith.index_cast %scan3A_1129 : i32 to index
        %get3A_1275 = arith.constant 80 : index
        %get3A_1276 = tpu.vector_load %arg9[%get3A_1274, %get3A_1275] {strides = array<i32>} : memref<64x128xf32, #tpu.memory_space<vmem>>, vector<16xf32>,
        %add3A_1277 = arith.addf %get3A_1273, %get3A_1276 : vector<16xf32>
        %sub3A_1278 = arith.subf %get3A_1273, %get3A_1276 : vector<16xf32>
        %mul3A_1279 = arith.mulf %get3A_1273, %get3A_1276 : vector<16xf32>
        %swap3A_1280 = arith.index_cast %scan3A_1129 : i32 to index
        %swap3A_1281 = arith.constant 80 : index
        %swap3A_1282 = tpu.vector_load %arg10[%swap3A_1280, %swap3A_1281] {strides = array<i32>} : memref<194x128xf32, #tpu.memory_space<vmem>>, vector<16xf32>,
        tpu.vector_store %arg10[%swap3A_1280, %swap3A_1281], %add3A_1277 {strides = array<i32>} : memref<194x128xf32, #tpu.memory_space<vmem>>, vector<16xf32>,
        %add3A_1283 = arith.constant 64 : i32
        %add3A_1284 = arith.addi %add3A_1283, %scan3A_1129 : i32
        %swap3A_1285 = arith.index_cast %add3A_1284 : i32 to index
        %swap3A_1286 = arith.constant 80 : index
        %swap3A_1287 = tpu.vector_load %arg10[%swap3A_1285, %swap3A_1286] {strides = array<i32>} : memref<194x128xf32, #tpu.memory_space<vmem>>, vector<16xf32>,
        tpu.vector_store %arg10[%swap3A_1285, %swap3A_1286], %sub3A_1278 {strides = array<i32>} : memref<194x128xf32, #tpu.memory_space<vmem>>, vector<16xf32>,
        %add3A_1288 = arith.constant 128 : i32
        %add3A_1289 = arith.addi %add3A_1288, %scan3A_1129 : i32
        %swap3A_1290 = arith.index_cast %add3A_1289 : i32 to index
        %swap3A_1291 = arith.constant 80 : index
        %swap3A_1292 = tpu.vector_load %arg10[%swap3A_1290, %swap3A_1291] {strides = array<i32>} : memref<194x128xf32, #tpu.memory_space<vmem>>, vector<16xf32>,
        tpu.vector_store %arg10[%swap3A_1290, %swap3A_1291], %mul3A_1279 {strides = array<i32>} : memref<194x128xf32, #tpu.memory_space<vmem>>, vector<16xf32>,
        %add3A_1293 = arith.addf %scan3A_1140, %mul3A_1279 : vector<16xf32>
        %mul3A_1294 = arith.mulf %sub3A_1278, %sub3A_1278 : vector<16xf32>
        %add3A_1295 = arith.addf %scan3A_1141, %mul3A_1294 : vector<16xf32>
        %get3A_1296 = arith.index_cast %scan3A_1129 : i32 to index
        %get3A_1297 = arith.constant 96 : index
        %get3A_1298 = tpu.vector_load %arg8[%get3A_1296, %get3A_1297] {strides = array<i32>} : memref<64x128xf32, #tpu.memory_space<vmem>>, vector<16xf32>,
        %get3A_1299 = arith.index_cast %scan3A_1129 : i32 to index
        %get3A_1300 = arith.constant 96 : index
        %get3A_1301 = tpu.vector_load %arg9[%get3A_1299, %get3A_1300] {strides = array<i32>} : memref<64x128xf32, #tpu.memory_space<vmem>>, vector<16xf32>,
        %add3A_1302 = arith.addf %get3A_1298, %get3A_1301 : vector<16xf32>
        %sub3A_1303 = arith.subf %get3A_1298, %get3A_1301 : vector<16xf32>
        %mul3A_1304 = arith.mulf %get3A_1298, %get3A_1301 : vector<16xf32>
        %swap3A_1305 = arith.index_cast %scan3A_1129 : i32 to index
        %swap3A_1306 = arith.constant 96 : index
        %swap3A_1307 = tpu.vector_load %arg10[%swap3A_1305, %swap3A_1306] {strides = array<i32>} : memref<194x128xf32, #tpu.memory_space<vmem>>, vector<16xf32>,
        tpu.vector_store %arg10[%swap3A_1305, %swap3A_1306], %add3A_1302 {strides = array<i32>} : memref<194x128xf32, #tpu.memory_space<vmem>>, vector<16xf32>,
        %add3A_1308 = arith.constant 64 : i32
        %add3A_1309 = arith.addi %add3A_1308, %scan3A_1129 : i32
        %swap3A_1310 = arith.index_cast %add3A_1309 : i32 to index
        %swap3A_1311 = arith.constant 96 : index
        %swap3A_1312 = tpu.vector_load %arg10[%swap3A_1310, %swap3A_1311] {strides = array<i32>} : memref<194x128xf32, #tpu.memory_space<vmem>>, vector<16xf32>,
        tpu.vector_store %arg10[%swap3A_1310, %swap3A_1311], %sub3A_1303 {strides = array<i32>} : memref<194x128xf32, #tpu.memory_space<vmem>>, vector<16xf32>,
        %add3A_1313 = arith.constant 128 : i32
        %add3A_1314 = arith.addi %add3A_1313, %scan3A_1129 : i32
        %swap3A_1315 = arith.index_cast %add3A_1314 : i32 to index
        %swap3A_1316 = arith.constant 96 : index
        %swap3A_1317 = tpu.vector_load %arg10[%swap3A_1315, %swap3A_1316] {strides = array<i32>} : memref<194x128xf32, #tpu.memory_space<vmem>>, vector<16xf32>,
        tpu.vector_store %arg10[%swap3A_1315, %swap3A_1316], %mul3A_1304 {strides = array<i32>} : memref<194x128xf32, #tpu.memory_space<vmem>>, vector<16xf32>,
        %add3A_1318 = arith.addf %scan3A_1142, %mul3A_1304 : vector<16xf32>
        %mul3A_1319 = arith.mulf %sub3A_1303, %sub3A_1303 : vector<16xf32>
        %add3A_1320 = arith.addf %scan3A_1143, %mul3A_1319 : vector<16xf32>
        %get3A_1321 = arith.index_cast %scan3A_1129 : i32 to index
        %get3A_1322 = arith.constant 112 : index
        %get3A_1323 = tpu.vector_load %arg8[%get3A_1321, %get3A_1322] {strides = array<i32>} : memref<64x128xf32, #tpu.memory_space<vmem>>, vector<16xf32>,
        %get3A_1324 = arith.index_cast %scan3A_1129 : i32 to index
        %get3A_1325 = arith.constant 112 : index
        %get3A_1326 = tpu.vector_load %arg9[%get3A_1324, %get3A_1325] {strides = array<i32>} : memref<64x128xf32, #tpu.memory_space<vmem>>, vector<16xf32>,
        %add3A_1327 = arith.addf %get3A_1323, %get3A_1326 : vector<16xf32>
        %sub3A_1328 = arith.subf %get3A_1323, %get3A_1326 : vector<16xf32>
        %mul3A_1329 = arith.mulf %get3A_1323, %get3A_1326 : vector<16xf32>
        %swap3A_1330 = arith.index_cast %scan3A_1129 : i32 to index
        %swap3A_1331 = arith.constant 112 : index
        %swap3A_1332 = tpu.vector_load %arg10[%swap3A_1330, %swap3A_1331] {strides = array<i32>} : memref<194x128xf32, #tpu.memory_space<vmem>>, vector<16xf32>,
        tpu.vector_store %arg10[%swap3A_1330, %swap3A_1331], %add3A_1327 {strides = array<i32>} : memref<194x128xf32, #tpu.memory_space<vmem>>, vector<16xf32>,
        %add3A_1333 = arith.constant 64 : i32
        %add3A_1334 = arith.addi %add3A_1333, %scan3A_1129 : i32
        %swap3A_1335 = arith.index_cast %add3A_1334 : i32 to index
        %swap3A_1336 = arith.constant 112 : index
        %swap3A_1337 = tpu.vector_load %arg10[%swap3A_1335, %swap3A_1336] {strides = array<i32>} : memref<194x128xf32, #tpu.memory_space<vmem>>, vector<16xf32>,
        tpu.vector_store %arg10[%swap3A_1335, %swap3A_1336], %sub3A_1328 {strides = array<i32>} : memref<194x128xf32, #tpu.memory_space<vmem>>, vector<16xf32>,
        %add3A_1338 = arith.constant 128 : i32
        %add3A_1339 = arith.addi %add3A_1338, %scan3A_1129 : i32
        %swap3A_1340 = arith.index_cast %add3A_1339 : i32 to index
        %swap3A_1341 = arith.constant 112 : index
        %swap3A_1342 = tpu.vector_load %arg10[%swap3A_1340, %swap3A_1341] {strides = array<i32>} : memref<194x128xf32, #tpu.memory_space<vmem>>, vector<16xf32>,
        tpu.vector_store %arg10[%swap3A_1340, %swap3A_1341], %mul3A_1329 {strides = array<i32>} : memref<194x128xf32, #tpu.memory_space<vmem>>, vector<16xf32>,
        %add3A_1343 = arith.addf %scan3A_1144, %mul3A_1329 : vector<16xf32>
        %mul3A_1344 = arith.mulf %sub3A_1328, %sub3A_1328 : vector<16xf32>
        %add3A_1345 = arith.addf %scan3A_1145, %mul3A_1344 : vector<16xf32>
        scf.yield %add3A_1168, %add3A_1170, %add3A_1193, %add3A_1195, %add3A_1218, %add3A_1220, %add3A_1243, %add3A_1245, %add3A_1268, %add3A_1270, %add3A_1293, %add3A_1295, %add3A_1318, %add3A_1320, %add3A_1343, %add3A_1345 : vector<16xf32>, vector<16xf32>, vector<16xf32>, vector<16xf32>, vector<16xf32>, vector<16xf32>, vector<16xf32>, vector<16xf32>, vector<16xf32>, vector<16xf32>, vector<16xf32>, vector<16xf32>, vector<16xf32>, vector<16xf32>, vector<16xf32>, vector<16xf32>
      }
      %scan3A_193 = arith.constant 64 : i32
      %swap3A = arith.constant 192 : i32
      %swap3A_194 = arith.index_cast %swap3A : i32 to index
      %swap3A_195 = arith.constant 0 : index
      %swap3A_196 = tpu.vector_load %arg10[%swap3A_194, %swap3A_195] {strides = array<i32>} : memref<194x128xf32, #tpu.memory_space<vmem>>, vector<16xf32>,
      tpu.vector_store %arg10[%swap3A_194, %swap3A_195], %scan3A_192#0 {strides = array<i32>} : memref<194x128xf32, #tpu.memory_space<vmem>>, vector<16xf32>,
      %bitcast_convert_type3A = tpu.bitcast %scan3A_192#1 : vector<16xf32> -> vector<16xi32>
      %shift_right_logical3A = arith.constant 1 : i32
      %shift_right_logical3A_197 = vector.broadcast %shift_right_logical3A : i32 to vector<16xi32>
      %shift_right_logical3A_198 = arith.shrui %bitcast_convert_type3A, %shift_right_logical3A_197 : vector<16xi32>
      %sub3A_199 = arith.constant 1597463007 : i32
      %sub3A_200 = vector.broadcast %sub3A_199 : i32 to vector<16xi32>
      %sub3A_201 = arith.subi %sub3A_200, %shift_right_logical3A_198 : vector<16xi32>
      %bitcast_convert_type3A_202 = tpu.bitcast %sub3A_201 : vector<16xi32> -> vector<16xf32>
      %mul3A_203 = arith.constant 5.000000e-01 : f32
      %mul3A_204 = vector.broadcast %mul3A_203 : f32 to vector<16xf32>
      %mul3A_205 = arith.mulf %mul3A_204, %scan3A_192#1 : vector<16xf32>
      %mul3A_206 = arith.mulf %mul3A_205, %bitcast_convert_type3A_202 : vector<16xf32>
      %mul3A_207 = arith.mulf %mul3A_206, %bitcast_convert_type3A_202 : vector<16xf32>
      %sub3A_208 = arith.constant 1.500000e+00 : f32
      %sub3A_209 = vector.broadcast %sub3A_208 : f32 to vector<16xf32>
      %sub3A_210 = arith.subf %sub3A_209, %mul3A_207 : vector<16xf32>
      %mul3A_211 = arith.mulf %bitcast_convert_type3A_202, %sub3A_210 : vector<16xf32>
      %mul3A_212 = arith.constant 5.000000e-01 : f32
      %mul3A_213 = vector.broadcast %mul3A_212 : f32 to vector<16xf32>
      %mul3A_214 = arith.mulf %mul3A_213, %scan3A_192#1 : vector<16xf32>
      %mul3A_215 = arith.mulf %mul3A_214, %mul3A_211 : vector<16xf32>
      %mul3A_216 = arith.mulf %mul3A_215, %mul3A_211 : vector<16xf32>
      %sub3A_217 = arith.constant 1.500000e+00 : f32
      %sub3A_218 = vector.broadcast %sub3A_217 : f32 to vector<16xf32>
      %sub3A_219 = arith.subf %sub3A_218, %mul3A_216 : vector<16xf32>
      %mul3A_220 = arith.mulf %mul3A_211, %sub3A_219 : vector<16xf32>
      %mul3A_221 = arith.constant 5.000000e-01 : f32
      %mul3A_222 = vector.broadcast %mul3A_221 : f32 to vector<16xf32>
      %mul3A_223 = arith.mulf %mul3A_222, %scan3A_192#1 : vector<16xf32>
      %mul3A_224 = arith.mulf %mul3A_223, %mul3A_220 : vector<16xf32>
      %mul3A_225 = arith.mulf %mul3A_224, %mul3A_220 : vector<16xf32>
      %sub3A_226 = arith.constant 1.500000e+00 : f32
      %sub3A_227 = vector.broadcast %sub3A_226 : f32 to vector<16xf32>
      %sub3A_228 = arith.subf %sub3A_227, %mul3A_225 : vector<16xf32>
      %mul3A_229 = arith.mulf %mul3A_220, %sub3A_228 : vector<16xf32>
      %gt3A = arith.constant 0.000000e+00 : f32
      %gt3A_230 = vector.broadcast %gt3A : f32 to vector<16xf32>
      %gt3A_231 = arith.cmpf ogt, %scan3A_192#1, %gt3A_230 : vector<16xf32>
      %mul3A_232 = arith.mulf %scan3A_192#1, %mul3A_229 : vector<16xf32>
      %jit3A_233 = arith.constant 0.000000e+00 : f32
      %broadcast_in_dim3A_234 = vector.broadcast %jit3A_233 : f32 to vector<16xf32>
      %select_n3A_235 = arith.select %gt3A_231, %mul3A_232, %broadcast_in_dim3A_234 : vector<16xi1>, vector<16xf32>
      %swap3A_236 = arith.constant 193 : i32
      %swap3A_237 = arith.index_cast %swap3A_236 : i32 to index
      %swap3A_238 = arith.constant 0 : index
      %swap3A_239 = tpu.vector_load %arg10[%swap3A_237, %swap3A_238] {strides = array<i32>} : memref<194x128xf32, #tpu.memory_space<vmem>>, vector<16xf32>,
      tpu.vector_store %arg10[%swap3A_237, %swap3A_238], %select_n3A_235 {strides = array<i32>} : memref<194x128xf32, #tpu.memory_space<vmem>>, vector<16xf32>,
      %swap3A_240 = arith.constant 192 : i32
      %swap3A_241 = arith.index_cast %swap3A_240 : i32 to index
      %swap3A_242 = arith.constant 16 : index
      %swap3A_243 = tpu.vector_load %arg10[%swap3A_241, %swap3A_242] {strides = array<i32>} : memref<194x128xf32, #tpu.memory_space<vmem>>, vector<16xf32>,
      tpu.vector_store %arg10[%swap3A_241, %swap3A_242], %scan3A_192#2 {strides = array<i32>} : memref<194x128xf32, #tpu.memory_space<vmem>>, vector<16xf32>,
      %bitcast_convert_type3A_244 = tpu.bitcast %scan3A_192#3 : vector<16xf32> -> vector<16xi32>
      %shift_right_logical3A_245 = arith.constant 1 : i32
      %shift_right_logical3A_246 = vector.broadcast %shift_right_logical3A_245 : i32 to vector<16xi32>
      %shift_right_logical3A_247 = arith.shrui %bitcast_convert_type3A_244, %shift_right_logical3A_246 : vector<16xi32>
      %sub3A_248 = arith.constant 1597463007 : i32
      %sub3A_249 = vector.broadcast %sub3A_248 : i32 to vector<16xi32>
      %sub3A_250 = arith.subi %sub3A_249, %shift_right_logical3A_247 : vector<16xi32>
      %bitcast_convert_type3A_251 = tpu.bitcast %sub3A_250 : vector<16xi32> -> vector<16xf32>
      %mul3A_252 = arith.constant 5.000000e-01 : f32
      %mul3A_253 = vector.broadcast %mul3A_252 : f32 to vector<16xf32>
      %mul3A_254 = arith.mulf %mul3A_253, %scan3A_192#3 : vector<16xf32>
      %mul3A_255 = arith.mulf %mul3A_254, %bitcast_convert_type3A_251 : vector<16xf32>
      %mul3A_256 = arith.mulf %mul3A_255, %bitcast_convert_type3A_251 : vector<16xf32>
      %sub3A_257 = arith.constant 1.500000e+00 : f32
      %sub3A_258 = vector.broadcast %sub3A_257 : f32 to vector<16xf32>
      %sub3A_259 = arith.subf %sub3A_258, %mul3A_256 : vector<16xf32>
      %mul3A_260 = arith.mulf %bitcast_convert_type3A_251, %sub3A_259 : vector<16xf32>
      %mul3A_261 = arith.constant 5.000000e-01 : f32
      %mul3A_262 = vector.broadcast %mul3A_261 : f32 to vector<16xf32>
      %mul3A_263 = arith.mulf %mul3A_262, %scan3A_192#3 : vector<16xf32>
      %mul3A_264 = arith.mulf %mul3A_263, %mul3A_260 : vector<16xf32>
      %mul3A_265 = arith.mulf %mul3A_264, %mul3A_260 : vector<16xf32>
      %sub3A_266 = arith.constant 1.500000e+00 : f32
      %sub3A_267 = vector.broadcast %sub3A_266 : f32 to vector<16xf32>
      %sub3A_268 = arith.subf %sub3A_267, %mul3A_265 : vector<16xf32>
      %mul3A_269 = arith.mulf %mul3A_260, %sub3A_268 : vector<16xf32>
      %mul3A_270 = arith.constant 5.000000e-01 : f32
      %mul3A_271 = vector.broadcast %mul3A_270 : f32 to vector<16xf32>
      %mul3A_272 = arith.mulf %mul3A_271, %scan3A_192#3 : vector<16xf32>
      %mul3A_273 = arith.mulf %mul3A_272, %mul3A_269 : vector<16xf32>
      %mul3A_274 = arith.mulf %mul3A_273, %mul3A_269 : vector<16xf32>
      %sub3A_275 = arith.constant 1.500000e+00 : f32
      %sub3A_276 = vector.broadcast %sub3A_275 : f32 to vector<16xf32>
      %sub3A_277 = arith.subf %sub3A_276, %mul3A_274 : vector<16xf32>
      %mul3A_278 = arith.mulf %mul3A_269, %sub3A_277 : vector<16xf32>
      %gt3A_279 = arith.constant 0.000000e+00 : f32
      %gt3A_280 = vector.broadcast %gt3A_279 : f32 to vector<16xf32>
      %gt3A_281 = arith.cmpf ogt, %scan3A_192#3, %gt3A_280 : vector<16xf32>
      %mul3A_282 = arith.mulf %scan3A_192#3, %mul3A_278 : vector<16xf32>
      %jit3A_283 = arith.constant 0.000000e+00 : f32
      %broadcast_in_dim3A_284 = vector.broadcast %jit3A_283 : f32 to vector<16xf32>
      %select_n3A_285 = arith.select %gt3A_281, %mul3A_282, %broadcast_in_dim3A_284 : vector<16xi1>, vector<16xf32>
      %swap3A_286 = arith.constant 193 : i32
      %swap3A_287 = arith.index_cast %swap3A_286 : i32 to index
      %swap3A_288 = arith.constant 16 : index
      %swap3A_289 = tpu.vector_load %arg10[%swap3A_287, %swap3A_288] {strides = array<i32>} : memref<194x128xf32, #tpu.memory_space<vmem>>, vector<16xf32>,
      tpu.vector_store %arg10[%swap3A_287, %swap3A_288], %select_n3A_285 {strides = array<i32>} : memref<194x128xf32, #tpu.memory_space<vmem>>, vector<16xf32>,
      %swap3A_290 = arith.constant 192 : i32
      %swap3A_291 = arith.index_cast %swap3A_290 : i32 to index
      %swap3A_292 = arith.constant 32 : index
      %swap3A_293 = tpu.vector_load %arg10[%swap3A_291, %swap3A_292] {strides = array<i32>} : memref<194x128xf32, #tpu.memory_space<vmem>>, vector<16xf32>,
      tpu.vector_store %arg10[%swap3A_291, %swap3A_292], %scan3A_192#4 {strides = array<i32>} : memref<194x128xf32, #tpu.memory_space<vmem>>, vector<16xf32>,
      %bitcast_convert_type3A_294 = tpu.bitcast %scan3A_192#5 : vector<16xf32> -> vector<16xi32>
      %shift_right_logical3A_295 = arith.constant 1 : i32
      %shift_right_logical3A_296 = vector.broadcast %shift_right_logical3A_295 : i32 to vector<16xi32>
      %shift_right_logical3A_297 = arith.shrui %bitcast_convert_type3A_294, %shift_right_logical3A_296 : vector<16xi32>
      %sub3A_298 = arith.constant 1597463007 : i32
      %sub3A_299 = vector.broadcast %sub3A_298 : i32 to vector<16xi32>
      %sub3A_300 = arith.subi %sub3A_299, %shift_right_logical3A_297 : vector<16xi32>
      %bitcast_convert_type3A_301 = tpu.bitcast %sub3A_300 : vector<16xi32> -> vector<16xf32>
      %mul3A_302 = arith.constant 5.000000e-01 : f32
      %mul3A_303 = vector.broadcast %mul3A_302 : f32 to vector<16xf32>
      %mul3A_304 = arith.mulf %mul3A_303, %scan3A_192#5 : vector<16xf32>
      %mul3A_305 = arith.mulf %mul3A_304, %bitcast_convert_type3A_301 : vector<16xf32>
      %mul3A_306 = arith.mulf %mul3A_305, %bitcast_convert_type3A_301 : vector<16xf32>
      %sub3A_307 = arith.constant 1.500000e+00 : f32
      %sub3A_308 = vector.broadcast %sub3A_307 : f32 to vector<16xf32>
      %sub3A_309 = arith.subf %sub3A_308, %mul3A_306 : vector<16xf32>
      %mul3A_310 = arith.mulf %bitcast_convert_type3A_301, %sub3A_309 : vector<16xf32>
      %mul3A_311 = arith.constant 5.000000e-01 : f32
      %mul3A_312 = vector.broadcast %mul3A_311 : f32 to vector<16xf32>
      %mul3A_313 = arith.mulf %mul3A_312, %scan3A_192#5 : vector<16xf32>
      %mul3A_314 = arith.mulf %mul3A_313, %mul3A_310 : vector<16xf32>
      %mul3A_315 = arith.mulf %mul3A_314, %mul3A_310 : vector<16xf32>
      %sub3A_316 = arith.constant 1.500000e+00 : f32
      %sub3A_317 = vector.broadcast %sub3A_316 : f32 to vector<16xf32>
      %sub3A_318 = arith.subf %sub3A_317, %mul3A_315 : vector<16xf32>
      %mul3A_319 = arith.mulf %mul3A_310, %sub3A_318 : vector<16xf32>
      %mul3A_320 = arith.constant 5.000000e-01 : f32
      %mul3A_321 = vector.broadcast %mul3A_320 : f32 to vector<16xf32>
      %mul3A_322 = arith.mulf %mul3A_321, %scan3A_192#5 : vector<16xf32>
      %mul3A_323 = arith.mulf %mul3A_322, %mul3A_319 : vector<16xf32>
      %mul3A_324 = arith.mulf %mul3A_323, %mul3A_319 : vector<16xf32>
      %sub3A_325 = arith.constant 1.500000e+00 : f32
      %sub3A_326 = vector.broadcast %sub3A_325 : f32 to vector<16xf32>
      %sub3A_327 = arith.subf %sub3A_326, %mul3A_324 : vector<16xf32>
      %mul3A_328 = arith.mulf %mul3A_319, %sub3A_327 : vector<16xf32>
      %gt3A_329 = arith.constant 0.000000e+00 : f32
      %gt3A_330 = vector.broadcast %gt3A_329 : f32 to vector<16xf32>
      %gt3A_331 = arith.cmpf ogt, %scan3A_192#5, %gt3A_330 : vector<16xf32>
      %mul3A_332 = arith.mulf %scan3A_192#5, %mul3A_328 : vector<16xf32>
      %jit3A_333 = arith.constant 0.000000e+00 : f32
      %broadcast_in_dim3A_334 = vector.broadcast %jit3A_333 : f32 to vector<16xf32>
      %select_n3A_335 = arith.select %gt3A_331, %mul3A_332, %broadcast_in_dim3A_334 : vector<16xi1>, vector<16xf32>
      %swap3A_336 = arith.constant 193 : i32
      %swap3A_337 = arith.index_cast %swap3A_336 : i32 to index
      %swap3A_338 = arith.constant 32 : index
      %swap3A_339 = tpu.vector_load %arg10[%swap3A_337, %swap3A_338] {strides = array<i32>} : memref<194x128xf32, #tpu.memory_space<vmem>>, vector<16xf32>,
      tpu.vector_store %arg10[%swap3A_337, %swap3A_338], %select_n3A_335 {strides = array<i32>} : memref<194x128xf32, #tpu.memory_space<vmem>>, vector<16xf32>,
      %swap3A_340 = arith.constant 192 : i32
      %swap3A_341 = arith.index_cast %swap3A_340 : i32 to index
      %swap3A_342 = arith.constant 48 : index
      %swap3A_343 = tpu.vector_load %arg10[%swap3A_341, %swap3A_342] {strides = array<i32>} : memref<194x128xf32, #tpu.memory_space<vmem>>, vector<16xf32>,
      tpu.vector_store %arg10[%swap3A_341, %swap3A_342], %scan3A_192#6 {strides = array<i32>} : memref<194x128xf32, #tpu.memory_space<vmem>>, vector<16xf32>,
      %bitcast_convert_type3A_344 = tpu.bitcast %scan3A_192#7 : vector<16xf32> -> vector<16xi32>
      %shift_right_logical3A_345 = arith.constant 1 : i32
      %shift_right_logical3A_346 = vector.broadcast %shift_right_logical3A_345 : i32 to vector<16xi32>
      %shift_right_logical3A_347 = arith.shrui %bitcast_convert_type3A_344, %shift_right_logical3A_346 : vector<16xi32>
      %sub3A_348 = arith.constant 1597463007 : i32
      %sub3A_349 = vector.broadcast %sub3A_348 : i32 to vector<16xi32>
      %sub3A_350 = arith.subi %sub3A_349, %shift_right_logical3A_347 : vector<16xi32>
      %bitcast_convert_type3A_351 = tpu.bitcast %sub3A_350 : vector<16xi32> -> vector<16xf32>
      %mul3A_352 = arith.constant 5.000000e-01 : f32
      %mul3A_353 = vector.broadcast %mul3A_352 : f32 to vector<16xf32>
      %mul3A_354 = arith.mulf %mul3A_353, %scan3A_192#7 : vector<16xf32>
      %mul3A_355 = arith.mulf %mul3A_354, %bitcast_convert_type3A_351 : vector<16xf32>
      %mul3A_356 = arith.mulf %mul3A_355, %bitcast_convert_type3A_351 : vector<16xf32>
      %sub3A_357 = arith.constant 1.500000e+00 : f32
      %sub3A_358 = vector.broadcast %sub3A_357 : f32 to vector<16xf32>
      %sub3A_359 = arith.subf %sub3A_358, %mul3A_356 : vector<16xf32>
      %mul3A_360 = arith.mulf %bitcast_convert_type3A_351, %sub3A_359 : vector<16xf32>
      %mul3A_361 = arith.constant 5.000000e-01 : f32
      %mul3A_362 = vector.broadcast %mul3A_361 : f32 to vector<16xf32>
      %mul3A_363 = arith.mulf %mul3A_362, %scan3A_192#7 : vector<16xf32>
      %mul3A_364 = arith.mulf %mul3A_363, %mul3A_360 : vector<16xf32>
      %mul3A_365 = arith.mulf %mul3A_364, %mul3A_360 : vector<16xf32>
      %sub3A_366 = arith.constant 1.500000e+00 : f32
      %sub3A_367 = vector.broadcast %sub3A_366 : f32 to vector<16xf32>
      %sub3A_368 = arith.subf %sub3A_367, %mul3A_365 : vector<16xf32>
      %mul3A_369 = arith.mulf %mul3A_360, %sub3A_368 : vector<16xf32>
      %mul3A_370 = arith.constant 5.000000e-01 : f32
      %mul3A_371 = vector.broadcast %mul3A_370 : f32 to vector<16xf32>
      %mul3A_372 = arith.mulf %mul3A_371, %scan3A_192#7 : vector<16xf32>
      %mul3A_373 = arith.mulf %mul3A_372, %mul3A_369 : vector<16xf32>
      %mul3A_374 = arith.mulf %mul3A_373, %mul3A_369 : vector<16xf32>
      %sub3A_375 = arith.constant 1.500000e+00 : f32
      %sub3A_376 = vector.broadcast %sub3A_375 : f32 to vector<16xf32>
      %sub3A_377 = arith.subf %sub3A_376, %mul3A_374 : vector<16xf32>
      %mul3A_378 = arith.mulf %mul3A_369, %sub3A_377 : vector<16xf32>
      %gt3A_379 = arith.constant 0.000000e+00 : f32
      %gt3A_380 = vector.broadcast %gt3A_379 : f32 to vector<16xf32>
      %gt3A_381 = arith.cmpf ogt, %scan3A_192#7, %gt3A_380 : vector<16xf32>
      %mul3A_382 = arith.mulf %scan3A_192#7, %mul3A_378 : vector<16xf32>
      %jit3A_383 = arith.constant 0.000000e+00 : f32
      %broadcast_in_dim3A_384 = vector.broadcast %jit3A_383 : f32 to vector<16xf32>
      %select_n3A_385 = arith.select %gt3A_381, %mul3A_382, %broadcast_in_dim3A_384 : vector<16xi1>, vector<16xf32>
      %swap3A_386 = arith.constant 193 : i32
      %swap3A_387 = arith.index_cast %swap3A_386 : i32 to index
      %swap3A_388 = arith.constant 48 : index
      %swap3A_389 = tpu.vector_load %arg10[%swap3A_387, %swap3A_388] {strides = array<i32>} : memref<194x128xf32, #tpu.memory_space<vmem>>, vector<16xf32>,
      tpu.vector_store %arg10[%swap3A_387, %swap3A_388], %select_n3A_385 {strides = array<i32>} : memref<194x128xf32, #tpu.memory_space<vmem>>, vector<16xf32>,
      %swap3A_390 = arith.constant 192 : i32
      %swap3A_391 = arith.index_cast %swap3A_390 : i32 to index
      %swap3A_392 = arith.constant 64 : index
      %swap3A_393 = tpu.vector_load %arg10[%swap3A_391, %swap3A_392] {strides = array<i32>} : memref<194x128xf32, #tpu.memory_space<vmem>>, vector<16xf32>,
      tpu.vector_store %arg10[%swap3A_391, %swap3A_392], %scan3A_192#8 {strides = array<i32>} : memref<194x128xf32, #tpu.memory_space<vmem>>, vector<16xf32>,
      %bitcast_convert_type3A_394 = tpu.bitcast %scan3A_192#9 : vector<16xf32> -> vector<16xi32>
      %shift_right_logical3A_395 = arith.constant 1 : i32
      %shift_right_logical3A_396 = vector.broadcast %shift_right_logical3A_395 : i32 to vector<16xi32>
      %shift_right_logical3A_397 = arith.shrui %bitcast_convert_type3A_394, %shift_right_logical3A_396 : vector<16xi32>
      %sub3A_398 = arith.constant 1597463007 : i32
      %sub3A_399 = vector.broadcast %sub3A_398 : i32 to vector<16xi32>
      %sub3A_400 = arith.subi %sub3A_399, %shift_right_logical3A_397 : vector<16xi32>
      %bitcast_convert_type3A_401 = tpu.bitcast %sub3A_400 : vector<16xi32> -> vector<16xf32>
      %mul3A_402 = arith.constant 5.000000e-01 : f32
      %mul3A_403 = vector.broadcast %mul3A_402 : f32 to vector<16xf32>
      %mul3A_404 = arith.mulf %mul3A_403, %scan3A_192#9 : vector<16xf32>
      %mul3A_405 = arith.mulf %mul3A_404, %bitcast_convert_type3A_401 : vector<16xf32>
      %mul3A_406 = arith.mulf %mul3A_405, %bitcast_convert_type3A_401 : vector<16xf32>
      %sub3A_407 = arith.constant 1.500000e+00 : f32
      %sub3A_408 = vector.broadcast %sub3A_407 : f32 to vector<16xf32>
      %sub3A_409 = arith.subf %sub3A_408, %mul3A_406 : vector<16xf32>
      %mul3A_410 = arith.mulf %bitcast_convert_type3A_401, %sub3A_409 : vector<16xf32>
      %mul3A_411 = arith.constant 5.000000e-01 : f32
      %mul3A_412 = vector.broadcast %mul3A_411 : f32 to vector<16xf32>
      %mul3A_413 = arith.mulf %mul3A_412, %scan3A_192#9 : vector<16xf32>
      %mul3A_414 = arith.mulf %mul3A_413, %mul3A_410 : vector<16xf32>
      %mul3A_415 = arith.mulf %mul3A_414, %mul3A_410 : vector<16xf32>
      %sub3A_416 = arith.constant 1.500000e+00 : f32
      %sub3A_417 = vector.broadcast %sub3A_416 : f32 to vector<16xf32>
      %sub3A_418 = arith.subf %sub3A_417, %mul3A_415 : vector<16xf32>
      %mul3A_419 = arith.mulf %mul3A_410, %sub3A_418 : vector<16xf32>
      %mul3A_420 = arith.constant 5.000000e-01 : f32
      %mul3A_421 = vector.broadcast %mul3A_420 : f32 to vector<16xf32>
      %mul3A_422 = arith.mulf %mul3A_421, %scan3A_192#9 : vector<16xf32>
      %mul3A_423 = arith.mulf %mul3A_422, %mul3A_419 : vector<16xf32>
      %mul3A_424 = arith.mulf %mul3A_423, %mul3A_419 : vector<16xf32>
      %sub3A_425 = arith.constant 1.500000e+00 : f32
      %sub3A_426 = vector.broadcast %sub3A_425 : f32 to vector<16xf32>
      %sub3A_427 = arith.subf %sub3A_426, %mul3A_424 : vector<16xf32>
      %mul3A_428 = arith.mulf %mul3A_419, %sub3A_427 : vector<16xf32>
      %gt3A_429 = arith.constant 0.000000e+00 : f32
      %gt3A_430 = vector.broadcast %gt3A_429 : f32 to vector<16xf32>
      %gt3A_431 = arith.cmpf ogt, %scan3A_192#9, %gt3A_430 : vector<16xf32>
      %mul3A_432 = arith.mulf %scan3A_192#9, %mul3A_428 : vector<16xf32>
      %jit3A_433 = arith.constant 0.000000e+00 : f32
      %broadcast_in_dim3A_434 = vector.broadcast %jit3A_433 : f32 to vector<16xf32>
      %select_n3A_435 = arith.select %gt3A_431, %mul3A_432, %broadcast_in_dim3A_434 : vector<16xi1>, vector<16xf32>
      %swap3A_436 = arith.constant 193 : i32
      %swap3A_437 = arith.index_cast %swap3A_436 : i32 to index
      %swap3A_438 = arith.constant 64 : index
      %swap3A_439 = tpu.vector_load %arg10[%swap3A_437, %swap3A_438] {strides = array<i32>} : memref<194x128xf32, #tpu.memory_space<vmem>>, vector<16xf32>,
      tpu.vector_store %arg10[%swap3A_437, %swap3A_438], %select_n3A_435 {strides = array<i32>} : memref<194x128xf32, #tpu.memory_space<vmem>>, vector<16xf32>,
      %swap3A_440 = arith.constant 192 : i32
      %swap3A_441 = arith.index_cast %swap3A_440 : i32 to index
      %swap3A_442 = arith.constant 80 : index
      %swap3A_443 = tpu.vector_load %arg10[%swap3A_441, %swap3A_442] {strides = array<i32>} : memref<194x128xf32, #tpu.memory_space<vmem>>, vector<16xf32>,
      tpu.vector_store %arg10[%swap3A_441, %swap3A_442], %scan3A_192#10 {strides = array<i32>} : memref<194x128xf32, #tpu.memory_space<vmem>>, vector<16xf32>,
      %bitcast_convert_type3A_444 = tpu.bitcast %scan3A_192#11 : vector<16xf32> -> vector<16xi32>
      %shift_right_logical3A_445 = arith.constant 1 : i32
      %shift_right_logical3A_446 = vector.broadcast %shift_right_logical3A_445 : i32 to vector<16xi32>
      %shift_right_logical3A_447 = arith.shrui %bitcast_convert_type3A_444, %shift_right_logical3A_446 : vector<16xi32>
      %sub3A_448 = arith.constant 1597463007 : i32
      %sub3A_449 = vector.broadcast %sub3A_448 : i32 to vector<16xi32>
      %sub3A_450 = arith.subi %sub3A_449, %shift_right_logical3A_447 : vector<16xi32>
      %bitcast_convert_type3A_451 = tpu.bitcast %sub3A_450 : vector<16xi32> -> vector<16xf32>
      %mul3A_452 = arith.constant 5.000000e-01 : f32
      %mul3A_453 = vector.broadcast %mul3A_452 : f32 to vector<16xf32>
      %mul3A_454 = arith.mulf %mul3A_453, %scan3A_192#11 : vector<16xf32>
      %mul3A_455 = arith.mulf %mul3A_454, %bitcast_convert_type3A_451 : vector<16xf32>
      %mul3A_456 = arith.mulf %mul3A_455, %bitcast_convert_type3A_451 : vector<16xf32>
      %sub3A_457 = arith.constant 1.500000e+00 : f32
      %sub3A_458 = vector.broadcast %sub3A_457 : f32 to vector<16xf32>
      %sub3A_459 = arith.subf %sub3A_458, %mul3A_456 : vector<16xf32>
      %mul3A_460 = arith.mulf %bitcast_convert_type3A_451, %sub3A_459 : vector<16xf32>
      %mul3A_461 = arith.constant 5.000000e-01 : f32
      %mul3A_462 = vector.broadcast %mul3A_461 : f32 to vector<16xf32>
      %mul3A_463 = arith.mulf %mul3A_462, %scan3A_192#11 : vector<16xf32>
      %mul3A_464 = arith.mulf %mul3A_463, %mul3A_460 : vector<16xf32>
      %mul3A_465 = arith.mulf %mul3A_464, %mul3A_460 : vector<16xf32>
      %sub3A_466 = arith.constant 1.500000e+00 : f32
      %sub3A_467 = vector.broadcast %sub3A_466 : f32 to vector<16xf32>
      %sub3A_468 = arith.subf %sub3A_467, %mul3A_465 : vector<16xf32>
      %mul3A_469 = arith.mulf %mul3A_460, %sub3A_468 : vector<16xf32>
      %mul3A_470 = arith.constant 5.000000e-01 : f32
      %mul3A_471 = vector.broadcast %mul3A_470 : f32 to vector<16xf32>
      %mul3A_472 = arith.mulf %mul3A_471, %scan3A_192#11 : vector<16xf32>
      %mul3A_473 = arith.mulf %mul3A_472, %mul3A_469 : vector<16xf32>
      %mul3A_474 = arith.mulf %mul3A_473, %mul3A_469 : vector<16xf32>
      %sub3A_475 = arith.constant 1.500000e+00 : f32
      %sub3A_476 = vector.broadcast %sub3A_475 : f32 to vector<16xf32>
      %sub3A_477 = arith.subf %sub3A_476, %mul3A_474 : vector<16xf32>
      %mul3A_478 = arith.mulf %mul3A_469, %sub3A_477 : vector<16xf32>
      %gt3A_479 = arith.constant 0.000000e+00 : f32
      %gt3A_480 = vector.broadcast %gt3A_479 : f32 to vector<16xf32>
      %gt3A_481 = arith.cmpf ogt, %scan3A_192#11, %gt3A_480 : vector<16xf32>
      %mul3A_482 = arith.mulf %scan3A_192#11, %mul3A_478 : vector<16xf32>
      %jit3A_483 = arith.constant 0.000000e+00 : f32
      %broadcast_in_dim3A_484 = vector.broadcast %jit3A_483 : f32 to vector<16xf32>
      %select_n3A_485 = arith.select %gt3A_481, %mul3A_482, %broadcast_in_dim3A_484 : vector<16xi1>, vector<16xf32>
      %swap3A_486 = arith.constant 193 : i32
      %swap3A_487 = arith.index_cast %swap3A_486 : i32 to index
      %swap3A_488 = arith.constant 80 : index
      %swap3A_489 = tpu.vector_load %arg10[%swap3A_487, %swap3A_488] {strides = array<i32>} : memref<194x128xf32, #tpu.memory_space<vmem>>, vector<16xf32>,
      tpu.vector_store %arg10[%swap3A_487, %swap3A_488], %select_n3A_485 {strides = array<i32>} : memref<194x128xf32, #tpu.memory_space<vmem>>, vector<16xf32>,
      %swap3A_490 = arith.constant 192 : i32
      %swap3A_491 = arith.index_cast %swap3A_490 : i32 to index
      %swap3A_492 = arith.constant 96 : index
      %swap3A_493 = tpu.vector_load %arg10[%swap3A_491, %swap3A_492] {strides = array<i32>} : memref<194x128xf32, #tpu.memory_space<vmem>>, vector<16xf32>,
      tpu.vector_store %arg10[%swap3A_491, %swap3A_492], %scan3A_192#12 {strides = array<i32>} : memref<194x128xf32, #tpu.memory_space<vmem>>, vector<16xf32>,
      %bitcast_convert_type3A_494 = tpu.bitcast %scan3A_192#13 : vector<16xf32> -> vector<16xi32>
      %shift_right_logical3A_495 = arith.constant 1 : i32
      %shift_right_logical3A_496 = vector.broadcast %shift_right_logical3A_495 : i32 to vector<16xi32>
      %shift_right_logical3A_497 = arith.shrui %bitcast_convert_type3A_494, %shift_right_logical3A_496 : vector<16xi32>
      %sub3A_498 = arith.constant 1597463007 : i32
      %sub3A_499 = vector.broadcast %sub3A_498 : i32 to vector<16xi32>
      %sub3A_500 = arith.subi %sub3A_499, %shift_right_logical3A_497 : vector<16xi32>
      %bitcast_convert_type3A_501 = tpu.bitcast %sub3A_500 : vector<16xi32> -> vector<16xf32>
      %mul3A_502 = arith.constant 5.000000e-01 : f32
      %mul3A_503 = vector.broadcast %mul3A_502 : f32 to vector<16xf32>
      %mul3A_504 = arith.mulf %mul3A_503, %scan3A_192#13 : vector<16xf32>
      %mul3A_505 = arith.mulf %mul3A_504, %bitcast_convert_type3A_501 : vector<16xf32>
      %mul3A_506 = arith.mulf %mul3A_505, %bitcast_convert_type3A_501 : vector<16xf32>
      %sub3A_507 = arith.constant 1.500000e+00 : f32
      %sub3A_508 = vector.broadcast %sub3A_507 : f32 to vector<16xf32>
      %sub3A_509 = arith.subf %sub3A_508, %mul3A_506 : vector<16xf32>
      %mul3A_510 = arith.mulf %bitcast_convert_type3A_501, %sub3A_509 : vector<16xf32>
      %mul3A_511 = arith.constant 5.000000e-01 : f32
      %mul3A_512 = vector.broadcast %mul3A_511 : f32 to vector<16xf32>
      %mul3A_513 = arith.mulf %mul3A_512, %scan3A_192#13 : vector<16xf32>
      %mul3A_514 = arith.mulf %mul3A_513, %mul3A_510 : vector<16xf32>
      %mul3A_515 = arith.mulf %mul3A_514, %mul3A_510 : vector<16xf32>
      %sub3A_516 = arith.constant 1.500000e+00 : f32
      %sub3A_517 = vector.broadcast %sub3A_516 : f32 to vector<16xf32>
      %sub3A_518 = arith.subf %sub3A_517, %mul3A_515 : vector<16xf32>
      %mul3A_519 = arith.mulf %mul3A_510, %sub3A_518 : vector<16xf32>
      %mul3A_520 = arith.constant 5.000000e-01 : f32
      %mul3A_521 = vector.broadcast %mul3A_520 : f32 to vector<16xf32>
      %mul3A_522 = arith.mulf %mul3A_521, %scan3A_192#13 : vector<16xf32>
      %mul3A_523 = arith.mulf %mul3A_522, %mul3A_519 : vector<16xf32>
      %mul3A_524 = arith.mulf %mul3A_523, %mul3A_519 : vector<16xf32>
      %sub3A_525 = arith.constant 1.500000e+00 : f32
      %sub3A_526 = vector.broadcast %sub3A_525 : f32 to vector<16xf32>
      %sub3A_527 = arith.subf %sub3A_526, %mul3A_524 : vector<16xf32>
      %mul3A_528 = arith.mulf %mul3A_519, %sub3A_527 : vector<16xf32>
      %gt3A_529 = arith.constant 0.000000e+00 : f32
      %gt3A_530 = vector.broadcast %gt3A_529 : f32 to vector<16xf32>
      %gt3A_531 = arith.cmpf ogt, %scan3A_192#13, %gt3A_530 : vector<16xf32>
      %mul3A_532 = arith.mulf %scan3A_192#13, %mul3A_528 : vector<16xf32>
      %jit3A_533 = arith.constant 0.000000e+00 : f32
      %broadcast_in_dim3A_534 = vector.broadcast %jit3A_533 : f32 to vector<16xf32>
      %select_n3A_535 = arith.select %gt3A_531, %mul3A_532, %broadcast_in_dim3A_534 : vector<16xi1>, vector<16xf32>
      %swap3A_536 = arith.constant 193 : i32
      %swap3A_537 = arith.index_cast %swap3A_536 : i32 to index
      %swap3A_538 = arith.constant 96 : index
      %swap3A_539 = tpu.vector_load %arg10[%swap3A_537, %swap3A_538] {strides = array<i32>} : memref<194x128xf32, #tpu.memory_space<vmem>>, vector<16xf32>,
      tpu.vector_store %arg10[%swap3A_537, %swap3A_538], %select_n3A_535 {strides = array<i32>} : memref<194x128xf32, #tpu.memory_space<vmem>>, vector<16xf32>,
      %swap3A_540 = arith.constant 192 : i32
      %swap3A_541 = arith.index_cast %swap3A_540 : i32 to index
      %swap3A_542 = arith.constant 112 : index
      %swap3A_543 = tpu.vector_load %arg10[%swap3A_541, %swap3A_542] {strides = array<i32>} : memref<194x128xf32, #tpu.memory_space<vmem>>, vector<16xf32>,
      tpu.vector_store %arg10[%swap3A_541, %swap3A_542], %scan3A_192#14 {strides = array<i32>} : memref<194x128xf32, #tpu.memory_space<vmem>>, vector<16xf32>,
      %bitcast_convert_type3A_544 = tpu.bitcast %scan3A_192#15 : vector<16xf32> -> vector<16xi32>
      %shift_right_logical3A_545 = arith.constant 1 : i32
      %shift_right_logical3A_546 = vector.broadcast %shift_right_logical3A_545 : i32 to vector<16xi32>
      %shift_right_logical3A_547 = arith.shrui %bitcast_convert_type3A_544, %shift_right_logical3A_546 : vector<16xi32>
      %sub3A_548 = arith.constant 1597463007 : i32
      %sub3A_549 = vector.broadcast %sub3A_548 : i32 to vector<16xi32>
      %sub3A_550 = arith.subi %sub3A_549, %shift_right_logical3A_547 : vector<16xi32>
      %bitcast_convert_type3A_551 = tpu.bitcast %sub3A_550 : vector<16xi32> -> vector<16xf32>
      %mul3A_552 = arith.constant 5.000000e-01 : f32
      %mul3A_553 = vector.broadcast %mul3A_552 : f32 to vector<16xf32>
      %mul3A_554 = arith.mulf %mul3A_553, %scan3A_192#15 : vector<16xf32>
      %mul3A_555 = arith.mulf %mul3A_554, %bitcast_convert_type3A_551 : vector<16xf32>
      %mul3A_556 = arith.mulf %mul3A_555, %bitcast_convert_type3A_551 : vector<16xf32>
      %sub3A_557 = arith.constant 1.500000e+00 : f32
      %sub3A_558 = vector.broadcast %sub3A_557 : f32 to vector<16xf32>
      %sub3A_559 = arith.subf %sub3A_558, %mul3A_556 : vector<16xf32>
      %mul3A_560 = arith.mulf %bitcast_convert_type3A_551, %sub3A_559 : vector<16xf32>
      %mul3A_561 = arith.constant 5.000000e-01 : f32
      %mul3A_562 = vector.broadcast %mul3A_561 : f32 to vector<16xf32>
      %mul3A_563 = arith.mulf %mul3A_562, %scan3A_192#15 : vector<16xf32>
      %mul3A_564 = arith.mulf %mul3A_563, %mul3A_560 : vector<16xf32>
      %mul3A_565 = arith.mulf %mul3A_564, %mul3A_560 : vector<16xf32>
      %sub3A_566 = arith.constant 1.500000e+00 : f32
      %sub3A_567 = vector.broadcast %sub3A_566 : f32 to vector<16xf32>
      %sub3A_568 = arith.subf %sub3A_567, %mul3A_565 : vector<16xf32>
      %mul3A_569 = arith.mulf %mul3A_560, %sub3A_568 : vector<16xf32>
      %mul3A_570 = arith.constant 5.000000e-01 : f32
      %mul3A_571 = vector.broadcast %mul3A_570 : f32 to vector<16xf32>
      %mul3A_572 = arith.mulf %mul3A_571, %scan3A_192#15 : vector<16xf32>
      %mul3A_573 = arith.mulf %mul3A_572, %mul3A_569 : vector<16xf32>
      %mul3A_574 = arith.mulf %mul3A_573, %mul3A_569 : vector<16xf32>
      %sub3A_575 = arith.constant 1.500000e+00 : f32
      %sub3A_576 = vector.broadcast %sub3A_575 : f32 to vector<16xf32>
      %sub3A_577 = arith.subf %sub3A_576, %mul3A_574 : vector<16xf32>
      %mul3A_578 = arith.mulf %mul3A_569, %sub3A_577 : vector<16xf32>
      %gt3A_579 = arith.constant 0.000000e+00 : f32
      %gt3A_580 = vector.broadcast %gt3A_579 : f32 to vector<16xf32>
      %gt3A_581 = arith.cmpf ogt, %scan3A_192#15, %gt3A_580 : vector<16xf32>
      %mul3A_582 = arith.mulf %scan3A_192#15, %mul3A_578 : vector<16xf32>
      %jit3A_583 = arith.constant 0.000000e+00 : f32
      %broadcast_in_dim3A_584 = vector.broadcast %jit3A_583 : f32 to vector<16xf32>
      %select_n3A_585 = arith.select %gt3A_581, %mul3A_582, %broadcast_in_dim3A_584 : vector<16xi1>, vector<16xf32>
      %swap3A_586 = arith.constant 193 : i32
      %swap3A_587 = arith.index_cast %swap3A_586 : i32 to index
      %swap3A_588 = arith.constant 112 : index
      %swap3A_589 = tpu.vector_load %arg10[%swap3A_587, %swap3A_588] {strides = array<i32>} : memref<194x128xf32, #tpu.memory_space<vmem>>, vector<16xf32>,
      tpu.vector_store %arg10[%swap3A_587, %swap3A_588], %select_n3A_585 {strides = array<i32>} : memref<194x128xf32, #tpu.memory_space<vmem>>, vector<16xf32>,
      %mul3A_590 = arith.constant 2 : i32
      %mul3A_591 = arith.muli %mul3A_590, %scan3A_134 : i32
      %add3A_592 = arith.addi %mul3A_34, %mul3A_591 : i32
      %add3A_593 = arith.constant 0 : i32
      %add3A_594 = arith.addi %add3A_592, %add3A_593 : i32
      %add3A_595 = arith.constant 2 : i32
      %add3A_596 = arith.addi %add3A_594, %add3A_595 : i32
      %min3A_597 = arith.minsi %add3A_596, %sub3A_39 : i32
      %get3A_598 = arith.constant 0 : i32
      %get3A_599 = arith.index_cast %get3A_598 : i32 to index
      %get3A_600 = arith.index_cast %min3A_597 : i32 to index
      %get3A_601 = tpu.vector_load %arg6[%get3A_599, %get3A_600] {strides = array<i32>} : memref<1x368xi32, #tpu.memory_space<vmem>>, vector<16xi32>,
      %slice3A_602 = vector.extract_strided_slice %get3A_601 {offsets = [0], sizes = [1], strides = [1]} : vector<16xi32> to vector<1xi32>
      %squeeze3A_603 = vector.extract %slice3A_602[0] : i32 from vector<1xi32>
      %get3A_604 = arith.constant 0 : i32
      %get3A_605 = arith.index_cast %get3A_604 : i32 to index
      %get3A_606 = arith.index_cast %min3A_597 : i32 to index
      %get3A_607 = tpu.vector_load %arg7[%get3A_605, %get3A_606] {strides = array<i32>} : memref<1x368xi32, #tpu.memory_space<vmem>>, vector<16xi32>,
      %slice3A_608 = vector.extract_strided_slice %get3A_607 {offsets = [0], sizes = [1], strides = [1]} : vector<16xi32> to vector<1xi32>
      %squeeze3A_609 = vector.extract %slice3A_608[0] : i32 from vector<1xi32>
      %dma_start3A_610 = arith.constant 0 : i32
      %dma_start3A_611 = tpu.memref_slice %arg2[%squeeze3A_603, %dma_start3A_610, %mul3A_32] : memref<676x64x1024xf32, #tpu.memory_space<hbm>> -> memref<1x64x128xf32, #tpu.memory_space<hbm>>
      %dma_start3A_612 = tpu.memref_squeeze %dma_start3A_611 : memref<1x64x128xf32, #tpu.memory_space<hbm>> -> memref<64x128xf32, #tpu.memory_space<hbm>>
      %dma_start3A_613 = arith.constant 0 : i32
      %dma_start3A_614 = tpu.memref_slice %arg2[%squeeze3A_603, %dma_start3A_613, %mul3A_32] : memref<676x64x1024xf32, #tpu.memory_space<hbm>> -> memref<1x64x128xf32, #tpu.memory_space<hbm>>
      %dma_start3A_615 = tpu.memref_squeeze %dma_start3A_614 : memref<1x64x128xf32, #tpu.memory_space<hbm>> -> memref<64x128xf32, #tpu.memory_space<hbm>>
      tpu.enqueue_dma source(%dma_start3A_615 : memref<64x128xf32, #tpu.memory_space<hbm>>) target(%arg8 : memref<64x128xf32, #tpu.memory_space<vmem>>) target_semaphore(%arg14 : memref<!tpu.dma_semaphore, #tpu.memory_space<semaphore_mem>>)
      %dma_start3A_616 = arith.constant 0 : i32
      %dma_start3A_617 = tpu.memref_slice %arg2[%squeeze3A_609, %dma_start3A_616, %mul3A_32] : memref<676x64x1024xf32, #tpu.memory_space<hbm>> -> memref<1x64x128xf32, #tpu.memory_space<hbm>>
      %dma_start3A_618 = tpu.memref_squeeze %dma_start3A_617 : memref<1x64x128xf32, #tpu.memory_space<hbm>> -> memref<64x128xf32, #tpu.memory_space<hbm>>
      %dma_start3A_619 = arith.constant 0 : i32
      %dma_start3A_620 = tpu.memref_slice %arg2[%squeeze3A_609, %dma_start3A_619, %mul3A_32] : memref<676x64x1024xf32, #tpu.memory_space<hbm>> -> memref<1x64x128xf32, #tpu.memory_space<hbm>>
      %dma_start3A_621 = tpu.memref_squeeze %dma_start3A_620 : memref<1x64x128xf32, #tpu.memory_space<hbm>> -> memref<64x128xf32, #tpu.memory_space<hbm>>
      tpu.enqueue_dma source(%dma_start3A_621 : memref<64x128xf32, #tpu.memory_space<hbm>>) target(%arg9 : memref<64x128xf32, #tpu.memory_space<vmem>>) target_semaphore(%arg15 : memref<!tpu.dma_semaphore, #tpu.memory_space<semaphore_mem>>)
      %dma_start3A_622 = arith.constant 0 : i32
      %dma_start3A_623 = tpu.memref_slice %arg5[%dma_start3A_622, %min3A_140, %mul3A_32] : memref<194x351x1024xf32, #tpu.memory_space<hbm>> -> memref<194x1x128xf32, #tpu.memory_space<hbm>>
      %dma_start3A_624 = tpu.memref_squeeze %dma_start3A_623 : memref<194x1x128xf32, #tpu.memory_space<hbm>> -> memref<194x128xf32, #tpu.memory_space<hbm>>
      %dma_start3A_625 = arith.constant 0 : i32
      %dma_start3A_626 = tpu.memref_slice %arg5[%dma_start3A_625, %min3A_140, %mul3A_32] : memref<194x351x1024xf32, #tpu.memory_space<hbm>> -> memref<194x1x128xf32, #tpu.memory_space<hbm>>
      %dma_start3A_627 = tpu.memref_squeeze %dma_start3A_626 : memref<194x1x128xf32, #tpu.memory_space<hbm>> -> memref<194x128xf32, #tpu.memory_space<hbm>>
      tpu.enqueue_dma source(%arg10 : memref<194x128xf32, #tpu.memory_space<vmem>>) target(%dma_start3A_627 : memref<194x128xf32, #tpu.memory_space<hbm>>) target_semaphore(%arg16 : memref<!tpu.dma_semaphore, #tpu.memory_space<semaphore_mem>>)
      %mul3A_628 = arith.constant 2 : i32
      %mul3A_629 = arith.muli %mul3A_628, %scan3A_134 : i32
      %add3A_630 = arith.addi %mul3A_34, %mul3A_629 : i32
      %add3A_631 = arith.constant 1 : i32
      %add3A_632 = arith.addi %add3A_630, %add3A_631 : i32
      %min3A_633 = arith.minsi %add3A_632, %sub3A_39 : i32
      %dma_wait3A_634 = arith.constant 0 : i32
      %dma_wait3A_635 = arith.constant 0 : i32
      %dma_wait3A_636 = tpu.memref_slice %arg2[%dma_wait3A_634, %dma_wait3A_635, %mul3A_32] : memref<676x64x1024xf32, #tpu.memory_space<hbm>> -> memref<1x64x128xf32, #tpu.memory_space<hbm>>
      %dma_wait3A_637 = tpu.memref_squeeze %dma_wait3A_636 : memref<1x64x128xf32, #tpu.memory_space<hbm>> -> memref<64x128xf32, #tpu.memory_space<hbm>>
      %dma_wait3A_638 = arith.constant 0 : i32
      %dma_wait3A_639 = tpu.memref_slice %arg2[%dma_wait3A_634, %dma_wait3A_638, %mul3A_32] : memref<676x64x1024xf32, #tpu.memory_space<hbm>> -> memref<1x64x128xf32, #tpu.memory_space<hbm>>
      %dma_wait3A_640 = tpu.memref_squeeze %dma_wait3A_639 : memref<1x64x128xf32, #tpu.memory_space<hbm>> -> memref<64x128xf32, #tpu.memory_space<hbm>>
      tpu.wait_dma2 semaphore(%arg17 : memref<!tpu.dma_semaphore, #tpu.memory_space<semaphore_mem>>) src(%dma_wait3A_640 : memref<64x128xf32, #tpu.memory_space<hbm>>) dst(%arg11 : memref<64x128xf32, #tpu.memory_space<vmem>>)
      %dma_wait3A_641 = arith.constant 0 : i32
      %dma_wait3A_642 = arith.constant 0 : i32
      %dma_wait3A_643 = tpu.memref_slice %arg2[%dma_wait3A_641, %dma_wait3A_642, %mul3A_32] : memref<676x64x1024xf32, #tpu.memory_space<hbm>> -> memref<1x64x128xf32, #tpu.memory_space<hbm>>
      %dma_wait3A_644 = tpu.memref_squeeze %dma_wait3A_643 : memref<1x64x128xf32, #tpu.memory_space<hbm>> -> memref<64x128xf32, #tpu.memory_space<hbm>>
      %dma_wait3A_645 = arith.constant 0 : i32
      %dma_wait3A_646 = tpu.memref_slice %arg2[%dma_wait3A_641, %dma_wait3A_645, %mul3A_32] : memref<676x64x1024xf32, #tpu.memory_space<hbm>> -> memref<1x64x128xf32, #tpu.memory_space<hbm>>
      %dma_wait3A_647 = tpu.memref_squeeze %dma_wait3A_646 : memref<1x64x128xf32, #tpu.memory_space<hbm>> -> memref<64x128xf32, #tpu.memory_space<hbm>>
      tpu.wait_dma2 semaphore(%arg18 : memref<!tpu.dma_semaphore, #tpu.memory_space<semaphore_mem>>) src(%dma_wait3A_647 : memref<64x128xf32, #tpu.memory_space<hbm>>) dst(%arg12 : memref<64x128xf32, #tpu.memory_space<vmem>>)
      %ge3A_648 = arith.constant 1 : i32
      %ge3A_649 = arith.cmpi sge, %scan3A_134, %ge3A_648 : i32
      %convert_element_type3A_650 = arith.extui %ge3A_649 : i1 to i32
      %cond3A_651 = arith.constant 0 : i32
      %cond3A_652 = arith.cmpi ne, %convert_element_type3A_650, %cond3A_651 : i32
      scf.if %cond3A_652 {
        %dma_wait3A_1129 = arith.constant 0 : i32
        %dma_wait3A_1130 = arith.constant 0 : i32
        %dma_wait3A_1131 = tpu.memref_slice %arg5[%dma_wait3A_1130, %dma_wait3A_1129, %mul3A_32] : memref<194x351x1024xf32, #tpu.memory_space<hbm>> -> memref<194x1x128xf32, #tpu.memory_space<hbm>>
        %dma_wait3A_1132 = tpu.memref_squeeze %dma_wait3A_1131 : memref<194x1x128xf32, #tpu.memory_space<hbm>> -> memref<194x128xf32, #tpu.memory_space<hbm>>
        %dma_wait3A_1133 = arith.constant 0 : i32
        %dma_wait3A_1134 = tpu.memref_slice %arg5[%dma_wait3A_1133, %dma_wait3A_1129, %mul3A_32] : memref<194x351x1024xf32, #tpu.memory_space<hbm>> -> memref<194x1x128xf32, #tpu.memory_space<hbm>>
        %dma_wait3A_1135 = tpu.memref_squeeze %dma_wait3A_1134 : memref<194x1x128xf32, #tpu.memory_space<hbm>> -> memref<194x128xf32, #tpu.memory_space<hbm>>
        tpu.wait_dma2 semaphore(%arg19 : memref<!tpu.dma_semaphore, #tpu.memory_space<semaphore_mem>>) src(%arg13 : memref<194x128xf32, #tpu.memory_space<vmem>>) dst(%dma_wait3A_1135 : memref<194x128xf32, #tpu.memory_space<hbm>>)
      } else {
      }
      %broadcast_in_dim3A_653 = arith.constant 0.000000e+00 : f32
      %broadcast_in_dim3A_654 = vector.broadcast %broadcast_in_dim3A_653 : f32 to vector<16xf32>
      %broadcast_in_dim3A_655 = arith.constant 0.000000e+00 : f32
      %broadcast_in_dim3A_656 = vector.broadcast %broadcast_in_dim3A_655 : f32 to vector<16xf32>
      %broadcast_in_dim3A_657 = arith.constant 0.000000e+00 : f32
      %broadcast_in_dim3A_658 = vector.broadcast %broadcast_in_dim3A_657 : f32 to vector<16xf32>
      %broadcast_in_dim3A_659 = arith.constant 0.000000e+00 : f32
      %broadcast_in_dim3A_660 = vector.broadcast %broadcast_in_dim3A_659 : f32 to vector<16xf32>
      %broadcast_in_dim3A_661 = arith.constant 0.000000e+00 : f32
      %broadcast_in_dim3A_662 = vector.broadcast %broadcast_in_dim3A_661 : f32 to vector<16xf32>
      %broadcast_in_dim3A_663 = arith.constant 0.000000e+00 : f32
      %broadcast_in_dim3A_664 = vector.broadcast %broadcast_in_dim3A_663 : f32 to vector<16xf32>
      %broadcast_in_dim3A_665 = arith.constant 0.000000e+00 : f32
      %broadcast_in_dim3A_666 = vector.broadcast %broadcast_in_dim3A_665 : f32 to vector<16xf32>
      %broadcast_in_dim3A_667 = arith.constant 0.000000e+00 : f32
      %broadcast_in_dim3A_668 = vector.broadcast %broadcast_in_dim3A_667 : f32 to vector<16xf32>
      %broadcast_in_dim3A_669 = arith.constant 0.000000e+00 : f32
      %broadcast_in_dim3A_670 = vector.broadcast %broadcast_in_dim3A_669 : f32 to vector<16xf32>
      %broadcast_in_dim3A_671 = arith.constant 0.000000e+00 : f32
      %broadcast_in_dim3A_672 = vector.broadcast %broadcast_in_dim3A_671 : f32 to vector<16xf32>
      %broadcast_in_dim3A_673 = arith.constant 0.000000e+00 : f32
      %broadcast_in_dim3A_674 = vector.broadcast %broadcast_in_dim3A_673 : f32 to vector<16xf32>
      %broadcast_in_dim3A_675 = arith.constant 0.000000e+00 : f32
      %broadcast_in_dim3A_676 = vector.broadcast %broadcast_in_dim3A_675 : f32 to vector<16xf32>
      %broadcast_in_dim3A_677 = arith.constant 0.000000e+00 : f32
      %broadcast_in_dim3A_678 = vector.broadcast %broadcast_in_dim3A_677 : f32 to vector<16xf32>
      %broadcast_in_dim3A_679 = arith.constant 0.000000e+00 : f32
      %broadcast_in_dim3A_680 = vector.broadcast %broadcast_in_dim3A_679 : f32 to vector<16xf32>
      %broadcast_in_dim3A_681 = arith.constant 0.000000e+00 : f32
      %broadcast_in_dim3A_682 = vector.broadcast %broadcast_in_dim3A_681 : f32 to vector<16xf32>
      %broadcast_in_dim3A_683 = arith.constant 0.000000e+00 : f32
      %broadcast_in_dim3A_684 = vector.broadcast %broadcast_in_dim3A_683 : f32 to vector<16xf32>
      %scan3A_685 = arith.constant 0 : i32
      %scan3A_686 = arith.constant 64 : i32
      %scan3A_687 = arith.addi %scan3A_685, %scan3A_686 : i32
      %scan3A_688 = arith.constant 1 : i32
      %scan3A_689:16 = scf.for %scan3A_1129 = %scan3A_685 to %scan3A_687 step %scan3A_688 iter_args(%scan3A_1130 = %broadcast_in_dim3A_654, %scan3A_1131 = %broadcast_in_dim3A_656, %scan3A_1132 = %broadcast_in_dim3A_658, %scan3A_1133 = %broadcast_in_dim3A_660, %scan3A_1134 = %broadcast_in_dim3A_662, %scan3A_1135 = %broadcast_in_dim3A_664, %scan3A_1136 = %broadcast_in_dim3A_666, %scan3A_1137 = %broadcast_in_dim3A_668, %scan3A_1138 = %broadcast_in_dim3A_670, %scan3A_1139 = %broadcast_in_dim3A_672, %scan3A_1140 = %broadcast_in_dim3A_674, %scan3A_1141 = %broadcast_in_dim3A_676, %scan3A_1142 = %broadcast_in_dim3A_678, %scan3A_1143 = %broadcast_in_dim3A_680, %scan3A_1144 = %broadcast_in_dim3A_682, %scan3A_1145 = %broadcast_in_dim3A_684) -> (vector<16xf32>, vector<16xf32>, vector<16xf32>, vector<16xf32>, vector<16xf32>, vector<16xf32>, vector<16xf32>, vector<16xf32>, vector<16xf32>, vector<16xf32>, vector<16xf32>, vector<16xf32>, vector<16xf32>, vector<16xf32>, vector<16xf32>, vector<16xf32>)  : i32 {
        %get3A_1146 = arith.index_cast %scan3A_1129 : i32 to index
        %get3A_1147 = arith.constant 0 : index
        %get3A_1148 = tpu.vector_load %arg11[%get3A_1146, %get3A_1147] {strides = array<i32>} : memref<64x128xf32, #tpu.memory_space<vmem>>, vector<16xf32>,
        %get3A_1149 = arith.index_cast %scan3A_1129 : i32 to index
        %get3A_1150 = arith.constant 0 : index
        %get3A_1151 = tpu.vector_load %arg12[%get3A_1149, %get3A_1150] {strides = array<i32>} : memref<64x128xf32, #tpu.memory_space<vmem>>, vector<16xf32>,
        %add3A_1152 = arith.addf %get3A_1148, %get3A_1151 : vector<16xf32>
        %sub3A_1153 = arith.subf %get3A_1148, %get3A_1151 : vector<16xf32>
        %mul3A_1154 = arith.mulf %get3A_1148, %get3A_1151 : vector<16xf32>
        %swap3A_1155 = arith.index_cast %scan3A_1129 : i32 to index
        %swap3A_1156 = arith.constant 0 : index
        %swap3A_1157 = tpu.vector_load %arg13[%swap3A_1155, %swap3A_1156] {strides = array<i32>} : memref<194x128xf32, #tpu.memory_space<vmem>>, vector<16xf32>,
        tpu.vector_store %arg13[%swap3A_1155, %swap3A_1156], %add3A_1152 {strides = array<i32>} : memref<194x128xf32, #tpu.memory_space<vmem>>, vector<16xf32>,
        %add3A_1158 = arith.constant 64 : i32
        %add3A_1159 = arith.addi %add3A_1158, %scan3A_1129 : i32
        %swap3A_1160 = arith.index_cast %add3A_1159 : i32 to index
        %swap3A_1161 = arith.constant 0 : index
        %swap3A_1162 = tpu.vector_load %arg13[%swap3A_1160, %swap3A_1161] {strides = array<i32>} : memref<194x128xf32, #tpu.memory_space<vmem>>, vector<16xf32>,
        tpu.vector_store %arg13[%swap3A_1160, %swap3A_1161], %sub3A_1153 {strides = array<i32>} : memref<194x128xf32, #tpu.memory_space<vmem>>, vector<16xf32>,
        %add3A_1163 = arith.constant 128 : i32
        %add3A_1164 = arith.addi %add3A_1163, %scan3A_1129 : i32
        %swap3A_1165 = arith.index_cast %add3A_1164 : i32 to index
        %swap3A_1166 = arith.constant 0 : index
        %swap3A_1167 = tpu.vector_load %arg13[%swap3A_1165, %swap3A_1166] {strides = array<i32>} : memref<194x128xf32, #tpu.memory_space<vmem>>, vector<16xf32>,
        tpu.vector_store %arg13[%swap3A_1165, %swap3A_1166], %mul3A_1154 {strides = array<i32>} : memref<194x128xf32, #tpu.memory_space<vmem>>, vector<16xf32>,
        %add3A_1168 = arith.addf %scan3A_1130, %mul3A_1154 : vector<16xf32>
        %mul3A_1169 = arith.mulf %sub3A_1153, %sub3A_1153 : vector<16xf32>
        %add3A_1170 = arith.addf %scan3A_1131, %mul3A_1169 : vector<16xf32>
        %get3A_1171 = arith.index_cast %scan3A_1129 : i32 to index
        %get3A_1172 = arith.constant 16 : index
        %get3A_1173 = tpu.vector_load %arg11[%get3A_1171, %get3A_1172] {strides = array<i32>} : memref<64x128xf32, #tpu.memory_space<vmem>>, vector<16xf32>,
        %get3A_1174 = arith.index_cast %scan3A_1129 : i32 to index
        %get3A_1175 = arith.constant 16 : index
        %get3A_1176 = tpu.vector_load %arg12[%get3A_1174, %get3A_1175] {strides = array<i32>} : memref<64x128xf32, #tpu.memory_space<vmem>>, vector<16xf32>,
        %add3A_1177 = arith.addf %get3A_1173, %get3A_1176 : vector<16xf32>
        %sub3A_1178 = arith.subf %get3A_1173, %get3A_1176 : vector<16xf32>
        %mul3A_1179 = arith.mulf %get3A_1173, %get3A_1176 : vector<16xf32>
        %swap3A_1180 = arith.index_cast %scan3A_1129 : i32 to index
        %swap3A_1181 = arith.constant 16 : index
        %swap3A_1182 = tpu.vector_load %arg13[%swap3A_1180, %swap3A_1181] {strides = array<i32>} : memref<194x128xf32, #tpu.memory_space<vmem>>, vector<16xf32>,
        tpu.vector_store %arg13[%swap3A_1180, %swap3A_1181], %add3A_1177 {strides = array<i32>} : memref<194x128xf32, #tpu.memory_space<vmem>>, vector<16xf32>,
        %add3A_1183 = arith.constant 64 : i32
        %add3A_1184 = arith.addi %add3A_1183, %scan3A_1129 : i32
        %swap3A_1185 = arith.index_cast %add3A_1184 : i32 to index
        %swap3A_1186 = arith.constant 16 : index
        %swap3A_1187 = tpu.vector_load %arg13[%swap3A_1185, %swap3A_1186] {strides = array<i32>} : memref<194x128xf32, #tpu.memory_space<vmem>>, vector<16xf32>,
        tpu.vector_store %arg13[%swap3A_1185, %swap3A_1186], %sub3A_1178 {strides = array<i32>} : memref<194x128xf32, #tpu.memory_space<vmem>>, vector<16xf32>,
        %add3A_1188 = arith.constant 128 : i32
        %add3A_1189 = arith.addi %add3A_1188, %scan3A_1129 : i32
        %swap3A_1190 = arith.index_cast %add3A_1189 : i32 to index
        %swap3A_1191 = arith.constant 16 : index
        %swap3A_1192 = tpu.vector_load %arg13[%swap3A_1190, %swap3A_1191] {strides = array<i32>} : memref<194x128xf32, #tpu.memory_space<vmem>>, vector<16xf32>,
        tpu.vector_store %arg13[%swap3A_1190, %swap3A_1191], %mul3A_1179 {strides = array<i32>} : memref<194x128xf32, #tpu.memory_space<vmem>>, vector<16xf32>,
        %add3A_1193 = arith.addf %scan3A_1132, %mul3A_1179 : vector<16xf32>
        %mul3A_1194 = arith.mulf %sub3A_1178, %sub3A_1178 : vector<16xf32>
        %add3A_1195 = arith.addf %scan3A_1133, %mul3A_1194 : vector<16xf32>
        %get3A_1196 = arith.index_cast %scan3A_1129 : i32 to index
        %get3A_1197 = arith.constant 32 : index
        %get3A_1198 = tpu.vector_load %arg11[%get3A_1196, %get3A_1197] {strides = array<i32>} : memref<64x128xf32, #tpu.memory_space<vmem>>, vector<16xf32>,
        %get3A_1199 = arith.index_cast %scan3A_1129 : i32 to index
        %get3A_1200 = arith.constant 32 : index
        %get3A_1201 = tpu.vector_load %arg12[%get3A_1199, %get3A_1200] {strides = array<i32>} : memref<64x128xf32, #tpu.memory_space<vmem>>, vector<16xf32>,
        %add3A_1202 = arith.addf %get3A_1198, %get3A_1201 : vector<16xf32>
        %sub3A_1203 = arith.subf %get3A_1198, %get3A_1201 : vector<16xf32>
        %mul3A_1204 = arith.mulf %get3A_1198, %get3A_1201 : vector<16xf32>
        %swap3A_1205 = arith.index_cast %scan3A_1129 : i32 to index
        %swap3A_1206 = arith.constant 32 : index
        %swap3A_1207 = tpu.vector_load %arg13[%swap3A_1205, %swap3A_1206] {strides = array<i32>} : memref<194x128xf32, #tpu.memory_space<vmem>>, vector<16xf32>,
        tpu.vector_store %arg13[%swap3A_1205, %swap3A_1206], %add3A_1202 {strides = array<i32>} : memref<194x128xf32, #tpu.memory_space<vmem>>, vector<16xf32>,
        %add3A_1208 = arith.constant 64 : i32
        %add3A_1209 = arith.addi %add3A_1208, %scan3A_1129 : i32
        %swap3A_1210 = arith.index_cast %add3A_1209 : i32 to index
        %swap3A_1211 = arith.constant 32 : index
        %swap3A_1212 = tpu.vector_load %arg13[%swap3A_1210, %swap3A_1211] {strides = array<i32>} : memref<194x128xf32, #tpu.memory_space<vmem>>, vector<16xf32>,
        tpu.vector_store %arg13[%swap3A_1210, %swap3A_1211], %sub3A_1203 {strides = array<i32>} : memref<194x128xf32, #tpu.memory_space<vmem>>, vector<16xf32>,
        %add3A_1213 = arith.constant 128 : i32
        %add3A_1214 = arith.addi %add3A_1213, %scan3A_1129 : i32
        %swap3A_1215 = arith.index_cast %add3A_1214 : i32 to index
        %swap3A_1216 = arith.constant 32 : index
        %swap3A_1217 = tpu.vector_load %arg13[%swap3A_1215, %swap3A_1216] {strides = array<i32>} : memref<194x128xf32, #tpu.memory_space<vmem>>, vector<16xf32>,
        tpu.vector_store %arg13[%swap3A_1215, %swap3A_1216], %mul3A_1204 {strides = array<i32>} : memref<194x128xf32, #tpu.memory_space<vmem>>, vector<16xf32>,
        %add3A_1218 = arith.addf %scan3A_1134, %mul3A_1204 : vector<16xf32>
        %mul3A_1219 = arith.mulf %sub3A_1203, %sub3A_1203 : vector<16xf32>
        %add3A_1220 = arith.addf %scan3A_1135, %mul3A_1219 : vector<16xf32>
        %get3A_1221 = arith.index_cast %scan3A_1129 : i32 to index
        %get3A_1222 = arith.constant 48 : index
        %get3A_1223 = tpu.vector_load %arg11[%get3A_1221, %get3A_1222] {strides = array<i32>} : memref<64x128xf32, #tpu.memory_space<vmem>>, vector<16xf32>,
        %get3A_1224 = arith.index_cast %scan3A_1129 : i32 to index
        %get3A_1225 = arith.constant 48 : index
        %get3A_1226 = tpu.vector_load %arg12[%get3A_1224, %get3A_1225] {strides = array<i32>} : memref<64x128xf32, #tpu.memory_space<vmem>>, vector<16xf32>,
        %add3A_1227 = arith.addf %get3A_1223, %get3A_1226 : vector<16xf32>
        %sub3A_1228 = arith.subf %get3A_1223, %get3A_1226 : vector<16xf32>
        %mul3A_1229 = arith.mulf %get3A_1223, %get3A_1226 : vector<16xf32>
        %swap3A_1230 = arith.index_cast %scan3A_1129 : i32 to index
        %swap3A_1231 = arith.constant 48 : index
        %swap3A_1232 = tpu.vector_load %arg13[%swap3A_1230, %swap3A_1231] {strides = array<i32>} : memref<194x128xf32, #tpu.memory_space<vmem>>, vector<16xf32>,
        tpu.vector_store %arg13[%swap3A_1230, %swap3A_1231], %add3A_1227 {strides = array<i32>} : memref<194x128xf32, #tpu.memory_space<vmem>>, vector<16xf32>,
        %add3A_1233 = arith.constant 64 : i32
        %add3A_1234 = arith.addi %add3A_1233, %scan3A_1129 : i32
        %swap3A_1235 = arith.index_cast %add3A_1234 : i32 to index
        %swap3A_1236 = arith.constant 48 : index
        %swap3A_1237 = tpu.vector_load %arg13[%swap3A_1235, %swap3A_1236] {strides = array<i32>} : memref<194x128xf32, #tpu.memory_space<vmem>>, vector<16xf32>,
        tpu.vector_store %arg13[%swap3A_1235, %swap3A_1236], %sub3A_1228 {strides = array<i32>} : memref<194x128xf32, #tpu.memory_space<vmem>>, vector<16xf32>,
        %add3A_1238 = arith.constant 128 : i32
        %add3A_1239 = arith.addi %add3A_1238, %scan3A_1129 : i32
        %swap3A_1240 = arith.index_cast %add3A_1239 : i32 to index
        %swap3A_1241 = arith.constant 48 : index
        %swap3A_1242 = tpu.vector_load %arg13[%swap3A_1240, %swap3A_1241] {strides = array<i32>} : memref<194x128xf32, #tpu.memory_space<vmem>>, vector<16xf32>,
        tpu.vector_store %arg13[%swap3A_1240, %swap3A_1241], %mul3A_1229 {strides = array<i32>} : memref<194x128xf32, #tpu.memory_space<vmem>>, vector<16xf32>,
        %add3A_1243 = arith.addf %scan3A_1136, %mul3A_1229 : vector<16xf32>
        %mul3A_1244 = arith.mulf %sub3A_1228, %sub3A_1228 : vector<16xf32>
        %add3A_1245 = arith.addf %scan3A_1137, %mul3A_1244 : vector<16xf32>
        %get3A_1246 = arith.index_cast %scan3A_1129 : i32 to index
        %get3A_1247 = arith.constant 64 : index
        %get3A_1248 = tpu.vector_load %arg11[%get3A_1246, %get3A_1247] {strides = array<i32>} : memref<64x128xf32, #tpu.memory_space<vmem>>, vector<16xf32>,
        %get3A_1249 = arith.index_cast %scan3A_1129 : i32 to index
        %get3A_1250 = arith.constant 64 : index
        %get3A_1251 = tpu.vector_load %arg12[%get3A_1249, %get3A_1250] {strides = array<i32>} : memref<64x128xf32, #tpu.memory_space<vmem>>, vector<16xf32>,
        %add3A_1252 = arith.addf %get3A_1248, %get3A_1251 : vector<16xf32>
        %sub3A_1253 = arith.subf %get3A_1248, %get3A_1251 : vector<16xf32>
        %mul3A_1254 = arith.mulf %get3A_1248, %get3A_1251 : vector<16xf32>
        %swap3A_1255 = arith.index_cast %scan3A_1129 : i32 to index
        %swap3A_1256 = arith.constant 64 : index
        %swap3A_1257 = tpu.vector_load %arg13[%swap3A_1255, %swap3A_1256] {strides = array<i32>} : memref<194x128xf32, #tpu.memory_space<vmem>>, vector<16xf32>,
        tpu.vector_store %arg13[%swap3A_1255, %swap3A_1256], %add3A_1252 {strides = array<i32>} : memref<194x128xf32, #tpu.memory_space<vmem>>, vector<16xf32>,
        %add3A_1258 = arith.constant 64 : i32
        %add3A_1259 = arith.addi %add3A_1258, %scan3A_1129 : i32
        %swap3A_1260 = arith.index_cast %add3A_1259 : i32 to index
        %swap3A_1261 = arith.constant 64 : index
        %swap3A_1262 = tpu.vector_load %arg13[%swap3A_1260, %swap3A_1261] {strides = array<i32>} : memref<194x128xf32, #tpu.memory_space<vmem>>, vector<16xf32>,
        tpu.vector_store %arg13[%swap3A_1260, %swap3A_1261], %sub3A_1253 {strides = array<i32>} : memref<194x128xf32, #tpu.memory_space<vmem>>, vector<16xf32>,
        %add3A_1263 = arith.constant 128 : i32
        %add3A_1264 = arith.addi %add3A_1263, %scan3A_1129 : i32
        %swap3A_1265 = arith.index_cast %add3A_1264 : i32 to index
        %swap3A_1266 = arith.constant 64 : index
        %swap3A_1267 = tpu.vector_load %arg13[%swap3A_1265, %swap3A_1266] {strides = array<i32>} : memref<194x128xf32, #tpu.memory_space<vmem>>, vector<16xf32>,
        tpu.vector_store %arg13[%swap3A_1265, %swap3A_1266], %mul3A_1254 {strides = array<i32>} : memref<194x128xf32, #tpu.memory_space<vmem>>, vector<16xf32>,
        %add3A_1268 = arith.addf %scan3A_1138, %mul3A_1254 : vector<16xf32>
        %mul3A_1269 = arith.mulf %sub3A_1253, %sub3A_1253 : vector<16xf32>
        %add3A_1270 = arith.addf %scan3A_1139, %mul3A_1269 : vector<16xf32>
        %get3A_1271 = arith.index_cast %scan3A_1129 : i32 to index
        %get3A_1272 = arith.constant 80 : index
        %get3A_1273 = tpu.vector_load %arg11[%get3A_1271, %get3A_1272] {strides = array<i32>} : memref<64x128xf32, #tpu.memory_space<vmem>>, vector<16xf32>,
        %get3A_1274 = arith.index_cast %scan3A_1129 : i32 to index
        %get3A_1275 = arith.constant 80 : index
        %get3A_1276 = tpu.vector_load %arg12[%get3A_1274, %get3A_1275] {strides = array<i32>} : memref<64x128xf32, #tpu.memory_space<vmem>>, vector<16xf32>,
        %add3A_1277 = arith.addf %get3A_1273, %get3A_1276 : vector<16xf32>
        %sub3A_1278 = arith.subf %get3A_1273, %get3A_1276 : vector<16xf32>
        %mul3A_1279 = arith.mulf %get3A_1273, %get3A_1276 : vector<16xf32>
        %swap3A_1280 = arith.index_cast %scan3A_1129 : i32 to index
        %swap3A_1281 = arith.constant 80 : index
        %swap3A_1282 = tpu.vector_load %arg13[%swap3A_1280, %swap3A_1281] {strides = array<i32>} : memref<194x128xf32, #tpu.memory_space<vmem>>, vector<16xf32>,
        tpu.vector_store %arg13[%swap3A_1280, %swap3A_1281], %add3A_1277 {strides = array<i32>} : memref<194x128xf32, #tpu.memory_space<vmem>>, vector<16xf32>,
        %add3A_1283 = arith.constant 64 : i32
        %add3A_1284 = arith.addi %add3A_1283, %scan3A_1129 : i32
        %swap3A_1285 = arith.index_cast %add3A_1284 : i32 to index
        %swap3A_1286 = arith.constant 80 : index
        %swap3A_1287 = tpu.vector_load %arg13[%swap3A_1285, %swap3A_1286] {strides = array<i32>} : memref<194x128xf32, #tpu.memory_space<vmem>>, vector<16xf32>,
        tpu.vector_store %arg13[%swap3A_1285, %swap3A_1286], %sub3A_1278 {strides = array<i32>} : memref<194x128xf32, #tpu.memory_space<vmem>>, vector<16xf32>,
        %add3A_1288 = arith.constant 128 : i32
        %add3A_1289 = arith.addi %add3A_1288, %scan3A_1129 : i32
        %swap3A_1290 = arith.index_cast %add3A_1289 : i32 to index
        %swap3A_1291 = arith.constant 80 : index
        %swap3A_1292 = tpu.vector_load %arg13[%swap3A_1290, %swap3A_1291] {strides = array<i32>} : memref<194x128xf32, #tpu.memory_space<vmem>>, vector<16xf32>,
        tpu.vector_store %arg13[%swap3A_1290, %swap3A_1291], %mul3A_1279 {strides = array<i32>} : memref<194x128xf32, #tpu.memory_space<vmem>>, vector<16xf32>,
        %add3A_1293 = arith.addf %scan3A_1140, %mul3A_1279 : vector<16xf32>
        %mul3A_1294 = arith.mulf %sub3A_1278, %sub3A_1278 : vector<16xf32>
        %add3A_1295 = arith.addf %scan3A_1141, %mul3A_1294 : vector<16xf32>
        %get3A_1296 = arith.index_cast %scan3A_1129 : i32 to index
        %get3A_1297 = arith.constant 96 : index
        %get3A_1298 = tpu.vector_load %arg11[%get3A_1296, %get3A_1297] {strides = array<i32>} : memref<64x128xf32, #tpu.memory_space<vmem>>, vector<16xf32>,
        %get3A_1299 = arith.index_cast %scan3A_1129 : i32 to index
        %get3A_1300 = arith.constant 96 : index
        %get3A_1301 = tpu.vector_load %arg12[%get3A_1299, %get3A_1300] {strides = array<i32>} : memref<64x128xf32, #tpu.memory_space<vmem>>, vector<16xf32>,
        %add3A_1302 = arith.addf %get3A_1298, %get3A_1301 : vector<16xf32>
        %sub3A_1303 = arith.subf %get3A_1298, %get3A_1301 : vector<16xf32>
        %mul3A_1304 = arith.mulf %get3A_1298, %get3A_1301 : vector<16xf32>
        %swap3A_1305 = arith.index_cast %scan3A_1129 : i32 to index
        %swap3A_1306 = arith.constant 96 : index
        %swap3A_1307 = tpu.vector_load %arg13[%swap3A_1305, %swap3A_1306] {strides = array<i32>} : memref<194x128xf32, #tpu.memory_space<vmem>>, vector<16xf32>,
        tpu.vector_store %arg13[%swap3A_1305, %swap3A_1306], %add3A_1302 {strides = array<i32>} : memref<194x128xf32, #tpu.memory_space<vmem>>, vector<16xf32>,
        %add3A_1308 = arith.constant 64 : i32
        %add3A_1309 = arith.addi %add3A_1308, %scan3A_1129 : i32
        %swap3A_1310 = arith.index_cast %add3A_1309 : i32 to index
        %swap3A_1311 = arith.constant 96 : index
        %swap3A_1312 = tpu.vector_load %arg13[%swap3A_1310, %swap3A_1311] {strides = array<i32>} : memref<194x128xf32, #tpu.memory_space<vmem>>, vector<16xf32>,
        tpu.vector_store %arg13[%swap3A_1310, %swap3A_1311], %sub3A_1303 {strides = array<i32>} : memref<194x128xf32, #tpu.memory_space<vmem>>, vector<16xf32>,
        %add3A_1313 = arith.constant 128 : i32
        %add3A_1314 = arith.addi %add3A_1313, %scan3A_1129 : i32
        %swap3A_1315 = arith.index_cast %add3A_1314 : i32 to index
        %swap3A_1316 = arith.constant 96 : index
        %swap3A_1317 = tpu.vector_load %arg13[%swap3A_1315, %swap3A_1316] {strides = array<i32>} : memref<194x128xf32, #tpu.memory_space<vmem>>, vector<16xf32>,
        tpu.vector_store %arg13[%swap3A_1315, %swap3A_1316], %mul3A_1304 {strides = array<i32>} : memref<194x128xf32, #tpu.memory_space<vmem>>, vector<16xf32>,
        %add3A_1318 = arith.addf %scan3A_1142, %mul3A_1304 : vector<16xf32>
        %mul3A_1319 = arith.mulf %sub3A_1303, %sub3A_1303 : vector<16xf32>
        %add3A_1320 = arith.addf %scan3A_1143, %mul3A_1319 : vector<16xf32>
        %get3A_1321 = arith.index_cast %scan3A_1129 : i32 to index
        %get3A_1322 = arith.constant 112 : index
        %get3A_1323 = tpu.vector_load %arg11[%get3A_1321, %get3A_1322] {strides = array<i32>} : memref<64x128xf32, #tpu.memory_space<vmem>>, vector<16xf32>,
        %get3A_1324 = arith.index_cast %scan3A_1129 : i32 to index
        %get3A_1325 = arith.constant 112 : index
        %get3A_1326 = tpu.vector_load %arg12[%get3A_1324, %get3A_1325] {strides = array<i32>} : memref<64x128xf32, #tpu.memory_space<vmem>>, vector<16xf32>,
        %add3A_1327 = arith.addf %get3A_1323, %get3A_1326 : vector<16xf32>
        %sub3A_1328 = arith.subf %get3A_1323, %get3A_1326 : vector<16xf32>
        %mul3A_1329 = arith.mulf %get3A_1323, %get3A_1326 : vector<16xf32>
        %swap3A_1330 = arith.index_cast %scan3A_1129 : i32 to index
        %swap3A_1331 = arith.constant 112 : index
        %swap3A_1332 = tpu.vector_load %arg13[%swap3A_1330, %swap3A_1331] {strides = array<i32>} : memref<194x128xf32, #tpu.memory_space<vmem>>, vector<16xf32>,
        tpu.vector_store %arg13[%swap3A_1330, %swap3A_1331], %add3A_1327 {strides = array<i32>} : memref<194x128xf32, #tpu.memory_space<vmem>>, vector<16xf32>,
        %add3A_1333 = arith.constant 64 : i32
        %add3A_1334 = arith.addi %add3A_1333, %scan3A_1129 : i32
        %swap3A_1335 = arith.index_cast %add3A_1334 : i32 to index
        %swap3A_1336 = arith.constant 112 : index
        %swap3A_1337 = tpu.vector_load %arg13[%swap3A_1335, %swap3A_1336] {strides = array<i32>} : memref<194x128xf32, #tpu.memory_space<vmem>>, vector<16xf32>,
        tpu.vector_store %arg13[%swap3A_1335, %swap3A_1336], %sub3A_1328 {strides = array<i32>} : memref<194x128xf32, #tpu.memory_space<vmem>>, vector<16xf32>,
        %add3A_1338 = arith.constant 128 : i32
        %add3A_1339 = arith.addi %add3A_1338, %scan3A_1129 : i32
        %swap3A_1340 = arith.index_cast %add3A_1339 : i32 to index
        %swap3A_1341 = arith.constant 112 : index
        %swap3A_1342 = tpu.vector_load %arg13[%swap3A_1340, %swap3A_1341] {strides = array<i32>} : memref<194x128xf32, #tpu.memory_space<vmem>>, vector<16xf32>,
        tpu.vector_store %arg13[%swap3A_1340, %swap3A_1341], %mul3A_1329 {strides = array<i32>} : memref<194x128xf32, #tpu.memory_space<vmem>>, vector<16xf32>,
        %add3A_1343 = arith.addf %scan3A_1144, %mul3A_1329 : vector<16xf32>
        %mul3A_1344 = arith.mulf %sub3A_1328, %sub3A_1328 : vector<16xf32>
        %add3A_1345 = arith.addf %scan3A_1145, %mul3A_1344 : vector<16xf32>
        scf.yield %add3A_1168, %add3A_1170, %add3A_1193, %add3A_1195, %add3A_1218, %add3A_1220, %add3A_1243, %add3A_1245, %add3A_1268, %add3A_1270, %add3A_1293, %add3A_1295, %add3A_1318, %add3A_1320, %add3A_1343, %add3A_1345 : vector<16xf32>, vector<16xf32>, vector<16xf32>, vector<16xf32>, vector<16xf32>, vector<16xf32>, vector<16xf32>, vector<16xf32>, vector<16xf32>, vector<16xf32>, vector<16xf32>, vector<16xf32>, vector<16xf32>, vector<16xf32>, vector<16xf32>, vector<16xf32>
      }
      %scan3A_690 = arith.constant 64 : i32
      %swap3A_691 = arith.constant 192 : i32
      %swap3A_692 = arith.index_cast %swap3A_691 : i32 to index
      %swap3A_693 = arith.constant 0 : index
      %swap3A_694 = tpu.vector_load %arg13[%swap3A_692, %swap3A_693] {strides = array<i32>} : memref<194x128xf32, #tpu.memory_space<vmem>>, vector<16xf32>,
      tpu.vector_store %arg13[%swap3A_692, %swap3A_693], %scan3A_689#0 {strides = array<i32>} : memref<194x128xf32, #tpu.memory_space<vmem>>, vector<16xf32>,
      %bitcast_convert_type3A_695 = tpu.bitcast %scan3A_689#1 : vector<16xf32> -> vector<16xi32>
      %shift_right_logical3A_696 = arith.constant 1 : i32
      %shift_right_logical3A_697 = vector.broadcast %shift_right_logical3A_696 : i32 to vector<16xi32>
      %shift_right_logical3A_698 = arith.shrui %bitcast_convert_type3A_695, %shift_right_logical3A_697 : vector<16xi32>
      %sub3A_699 = arith.constant 1597463007 : i32
      %sub3A_700 = vector.broadcast %sub3A_699 : i32 to vector<16xi32>
      %sub3A_701 = arith.subi %sub3A_700, %shift_right_logical3A_698 : vector<16xi32>
      %bitcast_convert_type3A_702 = tpu.bitcast %sub3A_701 : vector<16xi32> -> vector<16xf32>
      %mul3A_703 = arith.constant 5.000000e-01 : f32
      %mul3A_704 = vector.broadcast %mul3A_703 : f32 to vector<16xf32>
      %mul3A_705 = arith.mulf %mul3A_704, %scan3A_689#1 : vector<16xf32>
      %mul3A_706 = arith.mulf %mul3A_705, %bitcast_convert_type3A_702 : vector<16xf32>
      %mul3A_707 = arith.mulf %mul3A_706, %bitcast_convert_type3A_702 : vector<16xf32>
      %sub3A_708 = arith.constant 1.500000e+00 : f32
      %sub3A_709 = vector.broadcast %sub3A_708 : f32 to vector<16xf32>
      %sub3A_710 = arith.subf %sub3A_709, %mul3A_707 : vector<16xf32>
      %mul3A_711 = arith.mulf %bitcast_convert_type3A_702, %sub3A_710 : vector<16xf32>
      %mul3A_712 = arith.constant 5.000000e-01 : f32
      %mul3A_713 = vector.broadcast %mul3A_712 : f32 to vector<16xf32>
      %mul3A_714 = arith.mulf %mul3A_713, %scan3A_689#1 : vector<16xf32>
      %mul3A_715 = arith.mulf %mul3A_714, %mul3A_711 : vector<16xf32>
      %mul3A_716 = arith.mulf %mul3A_715, %mul3A_711 : vector<16xf32>
      %sub3A_717 = arith.constant 1.500000e+00 : f32
      %sub3A_718 = vector.broadcast %sub3A_717 : f32 to vector<16xf32>
      %sub3A_719 = arith.subf %sub3A_718, %mul3A_716 : vector<16xf32>
      %mul3A_720 = arith.mulf %mul3A_711, %sub3A_719 : vector<16xf32>
      %mul3A_721 = arith.constant 5.000000e-01 : f32
      %mul3A_722 = vector.broadcast %mul3A_721 : f32 to vector<16xf32>
      %mul3A_723 = arith.mulf %mul3A_722, %scan3A_689#1 : vector<16xf32>
      %mul3A_724 = arith.mulf %mul3A_723, %mul3A_720 : vector<16xf32>
      %mul3A_725 = arith.mulf %mul3A_724, %mul3A_720 : vector<16xf32>
      %sub3A_726 = arith.constant 1.500000e+00 : f32
      %sub3A_727 = vector.broadcast %sub3A_726 : f32 to vector<16xf32>
      %sub3A_728 = arith.subf %sub3A_727, %mul3A_725 : vector<16xf32>
      %mul3A_729 = arith.mulf %mul3A_720, %sub3A_728 : vector<16xf32>
      %gt3A_730 = arith.constant 0.000000e+00 : f32
      %gt3A_731 = vector.broadcast %gt3A_730 : f32 to vector<16xf32>
      %gt3A_732 = arith.cmpf ogt, %scan3A_689#1, %gt3A_731 : vector<16xf32>
      %mul3A_733 = arith.mulf %scan3A_689#1, %mul3A_729 : vector<16xf32>
      %jit3A_734 = arith.constant 0.000000e+00 : f32
      %broadcast_in_dim3A_735 = vector.broadcast %jit3A_734 : f32 to vector<16xf32>
      %select_n3A_736 = arith.select %gt3A_732, %mul3A_733, %broadcast_in_dim3A_735 : vector<16xi1>, vector<16xf32>
      %swap3A_737 = arith.constant 193 : i32
      %swap3A_738 = arith.index_cast %swap3A_737 : i32 to index
      %swap3A_739 = arith.constant 0 : index
      %swap3A_740 = tpu.vector_load %arg13[%swap3A_738, %swap3A_739] {strides = array<i32>} : memref<194x128xf32, #tpu.memory_space<vmem>>, vector<16xf32>,
      tpu.vector_store %arg13[%swap3A_738, %swap3A_739], %select_n3A_736 {strides = array<i32>} : memref<194x128xf32, #tpu.memory_space<vmem>>, vector<16xf32>,
      %swap3A_741 = arith.constant 192 : i32
      %swap3A_742 = arith.index_cast %swap3A_741 : i32 to index
      %swap3A_743 = arith.constant 16 : index
      %swap3A_744 = tpu.vector_load %arg13[%swap3A_742, %swap3A_743] {strides = array<i32>} : memref<194x128xf32, #tpu.memory_space<vmem>>, vector<16xf32>,
      tpu.vector_store %arg13[%swap3A_742, %swap3A_743], %scan3A_689#2 {strides = array<i32>} : memref<194x128xf32, #tpu.memory_space<vmem>>, vector<16xf32>,
      %bitcast_convert_type3A_745 = tpu.bitcast %scan3A_689#3 : vector<16xf32> -> vector<16xi32>
      %shift_right_logical3A_746 = arith.constant 1 : i32
      %shift_right_logical3A_747 = vector.broadcast %shift_right_logical3A_746 : i32 to vector<16xi32>
      %shift_right_logical3A_748 = arith.shrui %bitcast_convert_type3A_745, %shift_right_logical3A_747 : vector<16xi32>
      %sub3A_749 = arith.constant 1597463007 : i32
      %sub3A_750 = vector.broadcast %sub3A_749 : i32 to vector<16xi32>
      %sub3A_751 = arith.subi %sub3A_750, %shift_right_logical3A_748 : vector<16xi32>
      %bitcast_convert_type3A_752 = tpu.bitcast %sub3A_751 : vector<16xi32> -> vector<16xf32>
      %mul3A_753 = arith.constant 5.000000e-01 : f32
      %mul3A_754 = vector.broadcast %mul3A_753 : f32 to vector<16xf32>
      %mul3A_755 = arith.mulf %mul3A_754, %scan3A_689#3 : vector<16xf32>
      %mul3A_756 = arith.mulf %mul3A_755, %bitcast_convert_type3A_752 : vector<16xf32>
      %mul3A_757 = arith.mulf %mul3A_756, %bitcast_convert_type3A_752 : vector<16xf32>
      %sub3A_758 = arith.constant 1.500000e+00 : f32
      %sub3A_759 = vector.broadcast %sub3A_758 : f32 to vector<16xf32>
      %sub3A_760 = arith.subf %sub3A_759, %mul3A_757 : vector<16xf32>
      %mul3A_761 = arith.mulf %bitcast_convert_type3A_752, %sub3A_760 : vector<16xf32>
      %mul3A_762 = arith.constant 5.000000e-01 : f32
      %mul3A_763 = vector.broadcast %mul3A_762 : f32 to vector<16xf32>
      %mul3A_764 = arith.mulf %mul3A_763, %scan3A_689#3 : vector<16xf32>
      %mul3A_765 = arith.mulf %mul3A_764, %mul3A_761 : vector<16xf32>
      %mul3A_766 = arith.mulf %mul3A_765, %mul3A_761 : vector<16xf32>
      %sub3A_767 = arith.constant 1.500000e+00 : f32
      %sub3A_768 = vector.broadcast %sub3A_767 : f32 to vector<16xf32>
      %sub3A_769 = arith.subf %sub3A_768, %mul3A_766 : vector<16xf32>
      %mul3A_770 = arith.mulf %mul3A_761, %sub3A_769 : vector<16xf32>
      %mul3A_771 = arith.constant 5.000000e-01 : f32
      %mul3A_772 = vector.broadcast %mul3A_771 : f32 to vector<16xf32>
      %mul3A_773 = arith.mulf %mul3A_772, %scan3A_689#3 : vector<16xf32>
      %mul3A_774 = arith.mulf %mul3A_773, %mul3A_770 : vector<16xf32>
      %mul3A_775 = arith.mulf %mul3A_774, %mul3A_770 : vector<16xf32>
      %sub3A_776 = arith.constant 1.500000e+00 : f32
      %sub3A_777 = vector.broadcast %sub3A_776 : f32 to vector<16xf32>
      %sub3A_778 = arith.subf %sub3A_777, %mul3A_775 : vector<16xf32>
      %mul3A_779 = arith.mulf %mul3A_770, %sub3A_778 : vector<16xf32>
      %gt3A_780 = arith.constant 0.000000e+00 : f32
      %gt3A_781 = vector.broadcast %gt3A_780 : f32 to vector<16xf32>
      %gt3A_782 = arith.cmpf ogt, %scan3A_689#3, %gt3A_781 : vector<16xf32>
      %mul3A_783 = arith.mulf %scan3A_689#3, %mul3A_779 : vector<16xf32>
      %jit3A_784 = arith.constant 0.000000e+00 : f32
      %broadcast_in_dim3A_785 = vector.broadcast %jit3A_784 : f32 to vector<16xf32>
      %select_n3A_786 = arith.select %gt3A_782, %mul3A_783, %broadcast_in_dim3A_785 : vector<16xi1>, vector<16xf32>
      %swap3A_787 = arith.constant 193 : i32
      %swap3A_788 = arith.index_cast %swap3A_787 : i32 to index
      %swap3A_789 = arith.constant 16 : index
      %swap3A_790 = tpu.vector_load %arg13[%swap3A_788, %swap3A_789] {strides = array<i32>} : memref<194x128xf32, #tpu.memory_space<vmem>>, vector<16xf32>,
      tpu.vector_store %arg13[%swap3A_788, %swap3A_789], %select_n3A_786 {strides = array<i32>} : memref<194x128xf32, #tpu.memory_space<vmem>>, vector<16xf32>,
      %swap3A_791 = arith.constant 192 : i32
      %swap3A_792 = arith.index_cast %swap3A_791 : i32 to index
      %swap3A_793 = arith.constant 32 : index
      %swap3A_794 = tpu.vector_load %arg13[%swap3A_792, %swap3A_793] {strides = array<i32>} : memref<194x128xf32, #tpu.memory_space<vmem>>, vector<16xf32>,
      tpu.vector_store %arg13[%swap3A_792, %swap3A_793], %scan3A_689#4 {strides = array<i32>} : memref<194x128xf32, #tpu.memory_space<vmem>>, vector<16xf32>,
      %bitcast_convert_type3A_795 = tpu.bitcast %scan3A_689#5 : vector<16xf32> -> vector<16xi32>
      %shift_right_logical3A_796 = arith.constant 1 : i32
      %shift_right_logical3A_797 = vector.broadcast %shift_right_logical3A_796 : i32 to vector<16xi32>
      %shift_right_logical3A_798 = arith.shrui %bitcast_convert_type3A_795, %shift_right_logical3A_797 : vector<16xi32>
      %sub3A_799 = arith.constant 1597463007 : i32
      %sub3A_800 = vector.broadcast %sub3A_799 : i32 to vector<16xi32>
      %sub3A_801 = arith.subi %sub3A_800, %shift_right_logical3A_798 : vector<16xi32>
      %bitcast_convert_type3A_802 = tpu.bitcast %sub3A_801 : vector<16xi32> -> vector<16xf32>
      %mul3A_803 = arith.constant 5.000000e-01 : f32
      %mul3A_804 = vector.broadcast %mul3A_803 : f32 to vector<16xf32>
      %mul3A_805 = arith.mulf %mul3A_804, %scan3A_689#5 : vector<16xf32>
      %mul3A_806 = arith.mulf %mul3A_805, %bitcast_convert_type3A_802 : vector<16xf32>
      %mul3A_807 = arith.mulf %mul3A_806, %bitcast_convert_type3A_802 : vector<16xf32>
      %sub3A_808 = arith.constant 1.500000e+00 : f32
      %sub3A_809 = vector.broadcast %sub3A_808 : f32 to vector<16xf32>
      %sub3A_810 = arith.subf %sub3A_809, %mul3A_807 : vector<16xf32>
      %mul3A_811 = arith.mulf %bitcast_convert_type3A_802, %sub3A_810 : vector<16xf32>
      %mul3A_812 = arith.constant 5.000000e-01 : f32
      %mul3A_813 = vector.broadcast %mul3A_812 : f32 to vector<16xf32>
      %mul3A_814 = arith.mulf %mul3A_813, %scan3A_689#5 : vector<16xf32>
      %mul3A_815 = arith.mulf %mul3A_814, %mul3A_811 : vector<16xf32>
      %mul3A_816 = arith.mulf %mul3A_815, %mul3A_811 : vector<16xf32>
      %sub3A_817 = arith.constant 1.500000e+00 : f32
      %sub3A_818 = vector.broadcast %sub3A_817 : f32 to vector<16xf32>
      %sub3A_819 = arith.subf %sub3A_818, %mul3A_816 : vector<16xf32>
      %mul3A_820 = arith.mulf %mul3A_811, %sub3A_819 : vector<16xf32>
      %mul3A_821 = arith.constant 5.000000e-01 : f32
      %mul3A_822 = vector.broadcast %mul3A_821 : f32 to vector<16xf32>
      %mul3A_823 = arith.mulf %mul3A_822, %scan3A_689#5 : vector<16xf32>
      %mul3A_824 = arith.mulf %mul3A_823, %mul3A_820 : vector<16xf32>
      %mul3A_825 = arith.mulf %mul3A_824, %mul3A_820 : vector<16xf32>
      %sub3A_826 = arith.constant 1.500000e+00 : f32
      %sub3A_827 = vector.broadcast %sub3A_826 : f32 to vector<16xf32>
      %sub3A_828 = arith.subf %sub3A_827, %mul3A_825 : vector<16xf32>
      %mul3A_829 = arith.mulf %mul3A_820, %sub3A_828 : vector<16xf32>
      %gt3A_830 = arith.constant 0.000000e+00 : f32
      %gt3A_831 = vector.broadcast %gt3A_830 : f32 to vector<16xf32>
      %gt3A_832 = arith.cmpf ogt, %scan3A_689#5, %gt3A_831 : vector<16xf32>
      %mul3A_833 = arith.mulf %scan3A_689#5, %mul3A_829 : vector<16xf32>
      %jit3A_834 = arith.constant 0.000000e+00 : f32
      %broadcast_in_dim3A_835 = vector.broadcast %jit3A_834 : f32 to vector<16xf32>
      %select_n3A_836 = arith.select %gt3A_832, %mul3A_833, %broadcast_in_dim3A_835 : vector<16xi1>, vector<16xf32>
      %swap3A_837 = arith.constant 193 : i32
      %swap3A_838 = arith.index_cast %swap3A_837 : i32 to index
      %swap3A_839 = arith.constant 32 : index
      %swap3A_840 = tpu.vector_load %arg13[%swap3A_838, %swap3A_839] {strides = array<i32>} : memref<194x128xf32, #tpu.memory_space<vmem>>, vector<16xf32>,
      tpu.vector_store %arg13[%swap3A_838, %swap3A_839], %select_n3A_836 {strides = array<i32>} : memref<194x128xf32, #tpu.memory_space<vmem>>, vector<16xf32>,
      %swap3A_841 = arith.constant 192 : i32
      %swap3A_842 = arith.index_cast %swap3A_841 : i32 to index
      %swap3A_843 = arith.constant 48 : index
      %swap3A_844 = tpu.vector_load %arg13[%swap3A_842, %swap3A_843] {strides = array<i32>} : memref<194x128xf32, #tpu.memory_space<vmem>>, vector<16xf32>,
      tpu.vector_store %arg13[%swap3A_842, %swap3A_843], %scan3A_689#6 {strides = array<i32>} : memref<194x128xf32, #tpu.memory_space<vmem>>, vector<16xf32>,
      %bitcast_convert_type3A_845 = tpu.bitcast %scan3A_689#7 : vector<16xf32> -> vector<16xi32>
      %shift_right_logical3A_846 = arith.constant 1 : i32
      %shift_right_logical3A_847 = vector.broadcast %shift_right_logical3A_846 : i32 to vector<16xi32>
      %shift_right_logical3A_848 = arith.shrui %bitcast_convert_type3A_845, %shift_right_logical3A_847 : vector<16xi32>
      %sub3A_849 = arith.constant 1597463007 : i32
      %sub3A_850 = vector.broadcast %sub3A_849 : i32 to vector<16xi32>
      %sub3A_851 = arith.subi %sub3A_850, %shift_right_logical3A_848 : vector<16xi32>
      %bitcast_convert_type3A_852 = tpu.bitcast %sub3A_851 : vector<16xi32> -> vector<16xf32>
      %mul3A_853 = arith.constant 5.000000e-01 : f32
      %mul3A_854 = vector.broadcast %mul3A_853 : f32 to vector<16xf32>
      %mul3A_855 = arith.mulf %mul3A_854, %scan3A_689#7 : vector<16xf32>
      %mul3A_856 = arith.mulf %mul3A_855, %bitcast_convert_type3A_852 : vector<16xf32>
      %mul3A_857 = arith.mulf %mul3A_856, %bitcast_convert_type3A_852 : vector<16xf32>
      %sub3A_858 = arith.constant 1.500000e+00 : f32
      %sub3A_859 = vector.broadcast %sub3A_858 : f32 to vector<16xf32>
      %sub3A_860 = arith.subf %sub3A_859, %mul3A_857 : vector<16xf32>
      %mul3A_861 = arith.mulf %bitcast_convert_type3A_852, %sub3A_860 : vector<16xf32>
      %mul3A_862 = arith.constant 5.000000e-01 : f32
      %mul3A_863 = vector.broadcast %mul3A_862 : f32 to vector<16xf32>
      %mul3A_864 = arith.mulf %mul3A_863, %scan3A_689#7 : vector<16xf32>
      %mul3A_865 = arith.mulf %mul3A_864, %mul3A_861 : vector<16xf32>
      %mul3A_866 = arith.mulf %mul3A_865, %mul3A_861 : vector<16xf32>
      %sub3A_867 = arith.constant 1.500000e+00 : f32
      %sub3A_868 = vector.broadcast %sub3A_867 : f32 to vector<16xf32>
      %sub3A_869 = arith.subf %sub3A_868, %mul3A_866 : vector<16xf32>
      %mul3A_870 = arith.mulf %mul3A_861, %sub3A_869 : vector<16xf32>
      %mul3A_871 = arith.constant 5.000000e-01 : f32
      %mul3A_872 = vector.broadcast %mul3A_871 : f32 to vector<16xf32>
      %mul3A_873 = arith.mulf %mul3A_872, %scan3A_689#7 : vector<16xf32>
      %mul3A_874 = arith.mulf %mul3A_873, %mul3A_870 : vector<16xf32>
      %mul3A_875 = arith.mulf %mul3A_874, %mul3A_870 : vector<16xf32>
      %sub3A_876 = arith.constant 1.500000e+00 : f32
      %sub3A_877 = vector.broadcast %sub3A_876 : f32 to vector<16xf32>
      %sub3A_878 = arith.subf %sub3A_877, %mul3A_875 : vector<16xf32>
      %mul3A_879 = arith.mulf %mul3A_870, %sub3A_878 : vector<16xf32>
      %gt3A_880 = arith.constant 0.000000e+00 : f32
      %gt3A_881 = vector.broadcast %gt3A_880 : f32 to vector<16xf32>
      %gt3A_882 = arith.cmpf ogt, %scan3A_689#7, %gt3A_881 : vector<16xf32>
      %mul3A_883 = arith.mulf %scan3A_689#7, %mul3A_879 : vector<16xf32>
      %jit3A_884 = arith.constant 0.000000e+00 : f32
      %broadcast_in_dim3A_885 = vector.broadcast %jit3A_884 : f32 to vector<16xf32>
      %select_n3A_886 = arith.select %gt3A_882, %mul3A_883, %broadcast_in_dim3A_885 : vector<16xi1>, vector<16xf32>
      %swap3A_887 = arith.constant 193 : i32
      %swap3A_888 = arith.index_cast %swap3A_887 : i32 to index
      %swap3A_889 = arith.constant 48 : index
      %swap3A_890 = tpu.vector_load %arg13[%swap3A_888, %swap3A_889] {strides = array<i32>} : memref<194x128xf32, #tpu.memory_space<vmem>>, vector<16xf32>,
      tpu.vector_store %arg13[%swap3A_888, %swap3A_889], %select_n3A_886 {strides = array<i32>} : memref<194x128xf32, #tpu.memory_space<vmem>>, vector<16xf32>,
      %swap3A_891 = arith.constant 192 : i32
      %swap3A_892 = arith.index_cast %swap3A_891 : i32 to index
      %swap3A_893 = arith.constant 64 : index
      %swap3A_894 = tpu.vector_load %arg13[%swap3A_892, %swap3A_893] {strides = array<i32>} : memref<194x128xf32, #tpu.memory_space<vmem>>, vector<16xf32>,
      tpu.vector_store %arg13[%swap3A_892, %swap3A_893], %scan3A_689#8 {strides = array<i32>} : memref<194x128xf32, #tpu.memory_space<vmem>>, vector<16xf32>,
      %bitcast_convert_type3A_895 = tpu.bitcast %scan3A_689#9 : vector<16xf32> -> vector<16xi32>
      %shift_right_logical3A_896 = arith.constant 1 : i32
      %shift_right_logical3A_897 = vector.broadcast %shift_right_logical3A_896 : i32 to vector<16xi32>
      %shift_right_logical3A_898 = arith.shrui %bitcast_convert_type3A_895, %shift_right_logical3A_897 : vector<16xi32>
      %sub3A_899 = arith.constant 1597463007 : i32
      %sub3A_900 = vector.broadcast %sub3A_899 : i32 to vector<16xi32>
      %sub3A_901 = arith.subi %sub3A_900, %shift_right_logical3A_898 : vector<16xi32>
      %bitcast_convert_type3A_902 = tpu.bitcast %sub3A_901 : vector<16xi32> -> vector<16xf32>
      %mul3A_903 = arith.constant 5.000000e-01 : f32
      %mul3A_904 = vector.broadcast %mul3A_903 : f32 to vector<16xf32>
      %mul3A_905 = arith.mulf %mul3A_904, %scan3A_689#9 : vector<16xf32>
      %mul3A_906 = arith.mulf %mul3A_905, %bitcast_convert_type3A_902 : vector<16xf32>
      %mul3A_907 = arith.mulf %mul3A_906, %bitcast_convert_type3A_902 : vector<16xf32>
      %sub3A_908 = arith.constant 1.500000e+00 : f32
      %sub3A_909 = vector.broadcast %sub3A_908 : f32 to vector<16xf32>
      %sub3A_910 = arith.subf %sub3A_909, %mul3A_907 : vector<16xf32>
      %mul3A_911 = arith.mulf %bitcast_convert_type3A_902, %sub3A_910 : vector<16xf32>
      %mul3A_912 = arith.constant 5.000000e-01 : f32
      %mul3A_913 = vector.broadcast %mul3A_912 : f32 to vector<16xf32>
      %mul3A_914 = arith.mulf %mul3A_913, %scan3A_689#9 : vector<16xf32>
      %mul3A_915 = arith.mulf %mul3A_914, %mul3A_911 : vector<16xf32>
      %mul3A_916 = arith.mulf %mul3A_915, %mul3A_911 : vector<16xf32>
      %sub3A_917 = arith.constant 1.500000e+00 : f32
      %sub3A_918 = vector.broadcast %sub3A_917 : f32 to vector<16xf32>
      %sub3A_919 = arith.subf %sub3A_918, %mul3A_916 : vector<16xf32>
      %mul3A_920 = arith.mulf %mul3A_911, %sub3A_919 : vector<16xf32>
      %mul3A_921 = arith.constant 5.000000e-01 : f32
      %mul3A_922 = vector.broadcast %mul3A_921 : f32 to vector<16xf32>
      %mul3A_923 = arith.mulf %mul3A_922, %scan3A_689#9 : vector<16xf32>
      %mul3A_924 = arith.mulf %mul3A_923, %mul3A_920 : vector<16xf32>
      %mul3A_925 = arith.mulf %mul3A_924, %mul3A_920 : vector<16xf32>
      %sub3A_926 = arith.constant 1.500000e+00 : f32
      %sub3A_927 = vector.broadcast %sub3A_926 : f32 to vector<16xf32>
      %sub3A_928 = arith.subf %sub3A_927, %mul3A_925 : vector<16xf32>
      %mul3A_929 = arith.mulf %mul3A_920, %sub3A_928 : vector<16xf32>
      %gt3A_930 = arith.constant 0.000000e+00 : f32
      %gt3A_931 = vector.broadcast %gt3A_930 : f32 to vector<16xf32>
      %gt3A_932 = arith.cmpf ogt, %scan3A_689#9, %gt3A_931 : vector<16xf32>
      %mul3A_933 = arith.mulf %scan3A_689#9, %mul3A_929 : vector<16xf32>
      %jit3A_934 = arith.constant 0.000000e+00 : f32
      %broadcast_in_dim3A_935 = vector.broadcast %jit3A_934 : f32 to vector<16xf32>
      %select_n3A_936 = arith.select %gt3A_932, %mul3A_933, %broadcast_in_dim3A_935 : vector<16xi1>, vector<16xf32>
      %swap3A_937 = arith.constant 193 : i32
      %swap3A_938 = arith.index_cast %swap3A_937 : i32 to index
      %swap3A_939 = arith.constant 64 : index
      %swap3A_940 = tpu.vector_load %arg13[%swap3A_938, %swap3A_939] {strides = array<i32>} : memref<194x128xf32, #tpu.memory_space<vmem>>, vector<16xf32>,
      tpu.vector_store %arg13[%swap3A_938, %swap3A_939], %select_n3A_936 {strides = array<i32>} : memref<194x128xf32, #tpu.memory_space<vmem>>, vector<16xf32>,
      %swap3A_941 = arith.constant 192 : i32
      %swap3A_942 = arith.index_cast %swap3A_941 : i32 to index
      %swap3A_943 = arith.constant 80 : index
      %swap3A_944 = tpu.vector_load %arg13[%swap3A_942, %swap3A_943] {strides = array<i32>} : memref<194x128xf32, #tpu.memory_space<vmem>>, vector<16xf32>,
      tpu.vector_store %arg13[%swap3A_942, %swap3A_943], %scan3A_689#10 {strides = array<i32>} : memref<194x128xf32, #tpu.memory_space<vmem>>, vector<16xf32>,
      %bitcast_convert_type3A_945 = tpu.bitcast %scan3A_689#11 : vector<16xf32> -> vector<16xi32>
      %shift_right_logical3A_946 = arith.constant 1 : i32
      %shift_right_logical3A_947 = vector.broadcast %shift_right_logical3A_946 : i32 to vector<16xi32>
      %shift_right_logical3A_948 = arith.shrui %bitcast_convert_type3A_945, %shift_right_logical3A_947 : vector<16xi32>
      %sub3A_949 = arith.constant 1597463007 : i32
      %sub3A_950 = vector.broadcast %sub3A_949 : i32 to vector<16xi32>
      %sub3A_951 = arith.subi %sub3A_950, %shift_right_logical3A_948 : vector<16xi32>
      %bitcast_convert_type3A_952 = tpu.bitcast %sub3A_951 : vector<16xi32> -> vector<16xf32>
      %mul3A_953 = arith.constant 5.000000e-01 : f32
      %mul3A_954 = vector.broadcast %mul3A_953 : f32 to vector<16xf32>
      %mul3A_955 = arith.mulf %mul3A_954, %scan3A_689#11 : vector<16xf32>
      %mul3A_956 = arith.mulf %mul3A_955, %bitcast_convert_type3A_952 : vector<16xf32>
      %mul3A_957 = arith.mulf %mul3A_956, %bitcast_convert_type3A_952 : vector<16xf32>
      %sub3A_958 = arith.constant 1.500000e+00 : f32
      %sub3A_959 = vector.broadcast %sub3A_958 : f32 to vector<16xf32>
      %sub3A_960 = arith.subf %sub3A_959, %mul3A_957 : vector<16xf32>
      %mul3A_961 = arith.mulf %bitcast_convert_type3A_952, %sub3A_960 : vector<16xf32>
      %mul3A_962 = arith.constant 5.000000e-01 : f32
      %mul3A_963 = vector.broadcast %mul3A_962 : f32 to vector<16xf32>
      %mul3A_964 = arith.mulf %mul3A_963, %scan3A_689#11 : vector<16xf32>
      %mul3A_965 = arith.mulf %mul3A_964, %mul3A_961 : vector<16xf32>
      %mul3A_966 = arith.mulf %mul3A_965, %mul3A_961 : vector<16xf32>
      %sub3A_967 = arith.constant 1.500000e+00 : f32
      %sub3A_968 = vector.broadcast %sub3A_967 : f32 to vector<16xf32>
      %sub3A_969 = arith.subf %sub3A_968, %mul3A_966 : vector<16xf32>
      %mul3A_970 = arith.mulf %mul3A_961, %sub3A_969 : vector<16xf32>
      %mul3A_971 = arith.constant 5.000000e-01 : f32
      %mul3A_972 = vector.broadcast %mul3A_971 : f32 to vector<16xf32>
      %mul3A_973 = arith.mulf %mul3A_972, %scan3A_689#11 : vector<16xf32>
      %mul3A_974 = arith.mulf %mul3A_973, %mul3A_970 : vector<16xf32>
      %mul3A_975 = arith.mulf %mul3A_974, %mul3A_970 : vector<16xf32>
      %sub3A_976 = arith.constant 1.500000e+00 : f32
      %sub3A_977 = vector.broadcast %sub3A_976 : f32 to vector<16xf32>
      %sub3A_978 = arith.subf %sub3A_977, %mul3A_975 : vector<16xf32>
      %mul3A_979 = arith.mulf %mul3A_970, %sub3A_978 : vector<16xf32>
      %gt3A_980 = arith.constant 0.000000e+00 : f32
      %gt3A_981 = vector.broadcast %gt3A_980 : f32 to vector<16xf32>
      %gt3A_982 = arith.cmpf ogt, %scan3A_689#11, %gt3A_981 : vector<16xf32>
      %mul3A_983 = arith.mulf %scan3A_689#11, %mul3A_979 : vector<16xf32>
      %jit3A_984 = arith.constant 0.000000e+00 : f32
      %broadcast_in_dim3A_985 = vector.broadcast %jit3A_984 : f32 to vector<16xf32>
      %select_n3A_986 = arith.select %gt3A_982, %mul3A_983, %broadcast_in_dim3A_985 : vector<16xi1>, vector<16xf32>
      %swap3A_987 = arith.constant 193 : i32
      %swap3A_988 = arith.index_cast %swap3A_987 : i32 to index
      %swap3A_989 = arith.constant 80 : index
      %swap3A_990 = tpu.vector_load %arg13[%swap3A_988, %swap3A_989] {strides = array<i32>} : memref<194x128xf32, #tpu.memory_space<vmem>>, vector<16xf32>,
      tpu.vector_store %arg13[%swap3A_988, %swap3A_989], %select_n3A_986 {strides = array<i32>} : memref<194x128xf32, #tpu.memory_space<vmem>>, vector<16xf32>,
      %swap3A_991 = arith.constant 192 : i32
      %swap3A_992 = arith.index_cast %swap3A_991 : i32 to index
      %swap3A_993 = arith.constant 96 : index
      %swap3A_994 = tpu.vector_load %arg13[%swap3A_992, %swap3A_993] {strides = array<i32>} : memref<194x128xf32, #tpu.memory_space<vmem>>, vector<16xf32>,
      tpu.vector_store %arg13[%swap3A_992, %swap3A_993], %scan3A_689#12 {strides = array<i32>} : memref<194x128xf32, #tpu.memory_space<vmem>>, vector<16xf32>,
      %bitcast_convert_type3A_995 = tpu.bitcast %scan3A_689#13 : vector<16xf32> -> vector<16xi32>
      %shift_right_logical3A_996 = arith.constant 1 : i32
      %shift_right_logical3A_997 = vector.broadcast %shift_right_logical3A_996 : i32 to vector<16xi32>
      %shift_right_logical3A_998 = arith.shrui %bitcast_convert_type3A_995, %shift_right_logical3A_997 : vector<16xi32>
      %sub3A_999 = arith.constant 1597463007 : i32
      %sub3A_1000 = vector.broadcast %sub3A_999 : i32 to vector<16xi32>
      %sub3A_1001 = arith.subi %sub3A_1000, %shift_right_logical3A_998 : vector<16xi32>
      %bitcast_convert_type3A_1002 = tpu.bitcast %sub3A_1001 : vector<16xi32> -> vector<16xf32>
      %mul3A_1003 = arith.constant 5.000000e-01 : f32
      %mul3A_1004 = vector.broadcast %mul3A_1003 : f32 to vector<16xf32>
      %mul3A_1005 = arith.mulf %mul3A_1004, %scan3A_689#13 : vector<16xf32>
      %mul3A_1006 = arith.mulf %mul3A_1005, %bitcast_convert_type3A_1002 : vector<16xf32>
      %mul3A_1007 = arith.mulf %mul3A_1006, %bitcast_convert_type3A_1002 : vector<16xf32>
      %sub3A_1008 = arith.constant 1.500000e+00 : f32
      %sub3A_1009 = vector.broadcast %sub3A_1008 : f32 to vector<16xf32>
      %sub3A_1010 = arith.subf %sub3A_1009, %mul3A_1007 : vector<16xf32>
      %mul3A_1011 = arith.mulf %bitcast_convert_type3A_1002, %sub3A_1010 : vector<16xf32>
      %mul3A_1012 = arith.constant 5.000000e-01 : f32
      %mul3A_1013 = vector.broadcast %mul3A_1012 : f32 to vector<16xf32>
      %mul3A_1014 = arith.mulf %mul3A_1013, %scan3A_689#13 : vector<16xf32>
      %mul3A_1015 = arith.mulf %mul3A_1014, %mul3A_1011 : vector<16xf32>
      %mul3A_1016 = arith.mulf %mul3A_1015, %mul3A_1011 : vector<16xf32>
      %sub3A_1017 = arith.constant 1.500000e+00 : f32
      %sub3A_1018 = vector.broadcast %sub3A_1017 : f32 to vector<16xf32>
      %sub3A_1019 = arith.subf %sub3A_1018, %mul3A_1016 : vector<16xf32>
      %mul3A_1020 = arith.mulf %mul3A_1011, %sub3A_1019 : vector<16xf32>
      %mul3A_1021 = arith.constant 5.000000e-01 : f32
      %mul3A_1022 = vector.broadcast %mul3A_1021 : f32 to vector<16xf32>
      %mul3A_1023 = arith.mulf %mul3A_1022, %scan3A_689#13 : vector<16xf32>
      %mul3A_1024 = arith.mulf %mul3A_1023, %mul3A_1020 : vector<16xf32>
      %mul3A_1025 = arith.mulf %mul3A_1024, %mul3A_1020 : vector<16xf32>
      %sub3A_1026 = arith.constant 1.500000e+00 : f32
      %sub3A_1027 = vector.broadcast %sub3A_1026 : f32 to vector<16xf32>
      %sub3A_1028 = arith.subf %sub3A_1027, %mul3A_1025 : vector<16xf32>
      %mul3A_1029 = arith.mulf %mul3A_1020, %sub3A_1028 : vector<16xf32>
      %gt3A_1030 = arith.constant 0.000000e+00 : f32
      %gt3A_1031 = vector.broadcast %gt3A_1030 : f32 to vector<16xf32>
      %gt3A_1032 = arith.cmpf ogt, %scan3A_689#13, %gt3A_1031 : vector<16xf32>
      %mul3A_1033 = arith.mulf %scan3A_689#13, %mul3A_1029 : vector<16xf32>
      %jit3A_1034 = arith.constant 0.000000e+00 : f32
      %broadcast_in_dim3A_1035 = vector.broadcast %jit3A_1034 : f32 to vector<16xf32>
      %select_n3A_1036 = arith.select %gt3A_1032, %mul3A_1033, %broadcast_in_dim3A_1035 : vector<16xi1>, vector<16xf32>
      %swap3A_1037 = arith.constant 193 : i32
      %swap3A_1038 = arith.index_cast %swap3A_1037 : i32 to index
      %swap3A_1039 = arith.constant 96 : index
      %swap3A_1040 = tpu.vector_load %arg13[%swap3A_1038, %swap3A_1039] {strides = array<i32>} : memref<194x128xf32, #tpu.memory_space<vmem>>, vector<16xf32>,
      tpu.vector_store %arg13[%swap3A_1038, %swap3A_1039], %select_n3A_1036 {strides = array<i32>} : memref<194x128xf32, #tpu.memory_space<vmem>>, vector<16xf32>,
      %swap3A_1041 = arith.constant 192 : i32
      %swap3A_1042 = arith.index_cast %swap3A_1041 : i32 to index
      %swap3A_1043 = arith.constant 112 : index
      %swap3A_1044 = tpu.vector_load %arg13[%swap3A_1042, %swap3A_1043] {strides = array<i32>} : memref<194x128xf32, #tpu.memory_space<vmem>>, vector<16xf32>,
      tpu.vector_store %arg13[%swap3A_1042, %swap3A_1043], %scan3A_689#14 {strides = array<i32>} : memref<194x128xf32, #tpu.memory_space<vmem>>, vector<16xf32>,
      %bitcast_convert_type3A_1045 = tpu.bitcast %scan3A_689#15 : vector<16xf32> -> vector<16xi32>
      %shift_right_logical3A_1046 = arith.constant 1 : i32
      %shift_right_logical3A_1047 = vector.broadcast %shift_right_logical3A_1046 : i32 to vector<16xi32>
      %shift_right_logical3A_1048 = arith.shrui %bitcast_convert_type3A_1045, %shift_right_logical3A_1047 : vector<16xi32>
      %sub3A_1049 = arith.constant 1597463007 : i32
      %sub3A_1050 = vector.broadcast %sub3A_1049 : i32 to vector<16xi32>
      %sub3A_1051 = arith.subi %sub3A_1050, %shift_right_logical3A_1048 : vector<16xi32>
      %bitcast_convert_type3A_1052 = tpu.bitcast %sub3A_1051 : vector<16xi32> -> vector<16xf32>
      %mul3A_1053 = arith.constant 5.000000e-01 : f32
      %mul3A_1054 = vector.broadcast %mul3A_1053 : f32 to vector<16xf32>
      %mul3A_1055 = arith.mulf %mul3A_1054, %scan3A_689#15 : vector<16xf32>
      %mul3A_1056 = arith.mulf %mul3A_1055, %bitcast_convert_type3A_1052 : vector<16xf32>
      %mul3A_1057 = arith.mulf %mul3A_1056, %bitcast_convert_type3A_1052 : vector<16xf32>
      %sub3A_1058 = arith.constant 1.500000e+00 : f32
      %sub3A_1059 = vector.broadcast %sub3A_1058 : f32 to vector<16xf32>
      %sub3A_1060 = arith.subf %sub3A_1059, %mul3A_1057 : vector<16xf32>
      %mul3A_1061 = arith.mulf %bitcast_convert_type3A_1052, %sub3A_1060 : vector<16xf32>
      %mul3A_1062 = arith.constant 5.000000e-01 : f32
      %mul3A_1063 = vector.broadcast %mul3A_1062 : f32 to vector<16xf32>
      %mul3A_1064 = arith.mulf %mul3A_1063, %scan3A_689#15 : vector<16xf32>
      %mul3A_1065 = arith.mulf %mul3A_1064, %mul3A_1061 : vector<16xf32>
      %mul3A_1066 = arith.mulf %mul3A_1065, %mul3A_1061 : vector<16xf32>
      %sub3A_1067 = arith.constant 1.500000e+00 : f32
      %sub3A_1068 = vector.broadcast %sub3A_1067 : f32 to vector<16xf32>
      %sub3A_1069 = arith.subf %sub3A_1068, %mul3A_1066 : vector<16xf32>
      %mul3A_1070 = arith.mulf %mul3A_1061, %sub3A_1069 : vector<16xf32>
      %mul3A_1071 = arith.constant 5.000000e-01 : f32
      %mul3A_1072 = vector.broadcast %mul3A_1071 : f32 to vector<16xf32>
      %mul3A_1073 = arith.mulf %mul3A_1072, %scan3A_689#15 : vector<16xf32>
      %mul3A_1074 = arith.mulf %mul3A_1073, %mul3A_1070 : vector<16xf32>
      %mul3A_1075 = arith.mulf %mul3A_1074, %mul3A_1070 : vector<16xf32>
      %sub3A_1076 = arith.constant 1.500000e+00 : f32
      %sub3A_1077 = vector.broadcast %sub3A_1076 : f32 to vector<16xf32>
      %sub3A_1078 = arith.subf %sub3A_1077, %mul3A_1075 : vector<16xf32>
      %mul3A_1079 = arith.mulf %mul3A_1070, %sub3A_1078 : vector<16xf32>
      %gt3A_1080 = arith.constant 0.000000e+00 : f32
      %gt3A_1081 = vector.broadcast %gt3A_1080 : f32 to vector<16xf32>
      %gt3A_1082 = arith.cmpf ogt, %scan3A_689#15, %gt3A_1081 : vector<16xf32>
      %mul3A_1083 = arith.mulf %scan3A_689#15, %mul3A_1079 : vector<16xf32>
      %jit3A_1084 = arith.constant 0.000000e+00 : f32
      %broadcast_in_dim3A_1085 = vector.broadcast %jit3A_1084 : f32 to vector<16xf32>
      %select_n3A_1086 = arith.select %gt3A_1082, %mul3A_1083, %broadcast_in_dim3A_1085 : vector<16xi1>, vector<16xf32>
      %swap3A_1087 = arith.constant 193 : i32
      %swap3A_1088 = arith.index_cast %swap3A_1087 : i32 to index
      %swap3A_1089 = arith.constant 112 : index
      %swap3A_1090 = tpu.vector_load %arg13[%swap3A_1088, %swap3A_1089] {strides = array<i32>} : memref<194x128xf32, #tpu.memory_space<vmem>>, vector<16xf32>,
      tpu.vector_store %arg13[%swap3A_1088, %swap3A_1089], %select_n3A_1086 {strides = array<i32>} : memref<194x128xf32, #tpu.memory_space<vmem>>, vector<16xf32>,
      %mul3A_1091 = arith.constant 2 : i32
      %mul3A_1092 = arith.muli %mul3A_1091, %scan3A_134 : i32
      %add3A_1093 = arith.addi %mul3A_34, %mul3A_1092 : i32
      %add3A_1094 = arith.constant 1 : i32
      %add3A_1095 = arith.addi %add3A_1093, %add3A_1094 : i32
      %add3A_1096 = arith.constant 2 : i32
      %add3A_1097 = arith.addi %add3A_1095, %add3A_1096 : i32
      %min3A_1098 = arith.minsi %add3A_1097, %sub3A_39 : i32
      %get3A_1099 = arith.constant 0 : i32
      %get3A_1100 = arith.index_cast %get3A_1099 : i32 to index
      %get3A_1101 = arith.index_cast %min3A_1098 : i32 to index
      %get3A_1102 = tpu.vector_load %arg6[%get3A_1100, %get3A_1101] {strides = array<i32>} : memref<1x368xi32, #tpu.memory_space<vmem>>, vector<16xi32>,
      %slice3A_1103 = vector.extract_strided_slice %get3A_1102 {offsets = [0], sizes = [1], strides = [1]} : vector<16xi32> to vector<1xi32>
      %squeeze3A_1104 = vector.extract %slice3A_1103[0] : i32 from vector<1xi32>
      %get3A_1105 = arith.constant 0 : i32
      %get3A_1106 = arith.index_cast %get3A_1105 : i32 to index
      %get3A_1107 = arith.index_cast %min3A_1098 : i32 to index
      %get3A_1108 = tpu.vector_load %arg7[%get3A_1106, %get3A_1107] {strides = array<i32>} : memref<1x368xi32, #tpu.memory_space<vmem>>, vector<16xi32>,
      %slice3A_1109 = vector.extract_strided_slice %get3A_1108 {offsets = [0], sizes = [1], strides = [1]} : vector<16xi32> to vector<1xi32>
      %squeeze3A_1110 = vector.extract %slice3A_1109[0] : i32 from vector<1xi32>
      %dma_start3A_1111 = arith.constant 0 : i32
      %dma_start3A_1112 = tpu.memref_slice %arg2[%squeeze3A_1104, %dma_start3A_1111, %mul3A_32] : memref<676x64x1024xf32, #tpu.memory_space<hbm>> -> memref<1x64x128xf32, #tpu.memory_space<hbm>>
      %dma_start3A_1113 = tpu.memref_squeeze %dma_start3A_1112 : memref<1x64x128xf32, #tpu.memory_space<hbm>> -> memref<64x128xf32, #tpu.memory_space<hbm>>
      %dma_start3A_1114 = arith.constant 0 : i32
      %dma_start3A_1115 = tpu.memref_slice %arg2[%squeeze3A_1104, %dma_start3A_1114, %mul3A_32] : memref<676x64x1024xf32, #tpu.memory_space<hbm>> -> memref<1x64x128xf32, #tpu.memory_space<hbm>>
      %dma_start3A_1116 = tpu.memref_squeeze %dma_start3A_1115 : memref<1x64x128xf32, #tpu.memory_space<hbm>> -> memref<64x128xf32, #tpu.memory_space<hbm>>
      tpu.enqueue_dma source(%dma_start3A_1116 : memref<64x128xf32, #tpu.memory_space<hbm>>) target(%arg11 : memref<64x128xf32, #tpu.memory_space<vmem>>) target_semaphore(%arg17 : memref<!tpu.dma_semaphore, #tpu.memory_space<semaphore_mem>>)
      %dma_start3A_1117 = arith.constant 0 : i32
      %dma_start3A_1118 = tpu.memref_slice %arg2[%squeeze3A_1110, %dma_start3A_1117, %mul3A_32] : memref<676x64x1024xf32, #tpu.memory_space<hbm>> -> memref<1x64x128xf32, #tpu.memory_space<hbm>>
      %dma_start3A_1119 = tpu.memref_squeeze %dma_start3A_1118 : memref<1x64x128xf32, #tpu.memory_space<hbm>> -> memref<64x128xf32, #tpu.memory_space<hbm>>
      %dma_start3A_1120 = arith.constant 0 : i32
      %dma_start3A_1121 = tpu.memref_slice %arg2[%squeeze3A_1110, %dma_start3A_1120, %mul3A_32] : memref<676x64x1024xf32, #tpu.memory_space<hbm>> -> memref<1x64x128xf32, #tpu.memory_space<hbm>>
      %dma_start3A_1122 = tpu.memref_squeeze %dma_start3A_1121 : memref<1x64x128xf32, #tpu.memory_space<hbm>> -> memref<64x128xf32, #tpu.memory_space<hbm>>
      tpu.enqueue_dma source(%dma_start3A_1122 : memref<64x128xf32, #tpu.memory_space<hbm>>) target(%arg12 : memref<64x128xf32, #tpu.memory_space<vmem>>) target_semaphore(%arg18 : memref<!tpu.dma_semaphore, #tpu.memory_space<semaphore_mem>>)
      %dma_start3A_1123 = arith.constant 0 : i32
      %dma_start3A_1124 = tpu.memref_slice %arg5[%dma_start3A_1123, %min3A_633, %mul3A_32] : memref<194x351x1024xf32, #tpu.memory_space<hbm>> -> memref<194x1x128xf32, #tpu.memory_space<hbm>>
      %dma_start3A_1125 = tpu.memref_squeeze %dma_start3A_1124 : memref<194x1x128xf32, #tpu.memory_space<hbm>> -> memref<194x128xf32, #tpu.memory_space<hbm>>
      %dma_start3A_1126 = arith.constant 0 : i32
      %dma_start3A_1127 = tpu.memref_slice %arg5[%dma_start3A_1126, %min3A_633, %mul3A_32] : memref<194x351x1024xf32, #tpu.memory_space<hbm>> -> memref<194x1x128xf32, #tpu.memory_space<hbm>>
      %dma_start3A_1128 = tpu.memref_squeeze %dma_start3A_1127 : memref<194x1x128xf32, #tpu.memory_space<hbm>> -> memref<194x128xf32, #tpu.memory_space<hbm>>
      tpu.enqueue_dma source(%arg13 : memref<194x128xf32, #tpu.memory_space<vmem>>) target(%dma_start3A_1128 : memref<194x128xf32, #tpu.memory_space<hbm>>) target_semaphore(%arg19 : memref<!tpu.dma_semaphore, #tpu.memory_space<semaphore_mem>>)
    }
    %scan3A_92 = arith.constant 44 : i32
    %dma_wait3A = arith.constant 0 : i32
    %dma_wait3A_93 = arith.constant 0 : i32
    %dma_wait3A_94 = tpu.memref_slice %arg2[%dma_wait3A, %dma_wait3A_93, %mul3A_32] : memref<676x64x1024xf32, #tpu.memory_space<hbm>> -> memref<1x64x128xf32, #tpu.memory_space<hbm>>
    %dma_wait3A_95 = tpu.memref_squeeze %dma_wait3A_94 : memref<1x64x128xf32, #tpu.memory_space<hbm>> -> memref<64x128xf32, #tpu.memory_space<hbm>>
    %dma_wait3A_96 = arith.constant 0 : i32
    %dma_wait3A_97 = tpu.memref_slice %arg2[%dma_wait3A, %dma_wait3A_96, %mul3A_32] : memref<676x64x1024xf32, #tpu.memory_space<hbm>> -> memref<1x64x128xf32, #tpu.memory_space<hbm>>
    %dma_wait3A_98 = tpu.memref_squeeze %dma_wait3A_97 : memref<1x64x128xf32, #tpu.memory_space<hbm>> -> memref<64x128xf32, #tpu.memory_space<hbm>>
    tpu.wait_dma2 semaphore(%arg14 : memref<!tpu.dma_semaphore, #tpu.memory_space<semaphore_mem>>) src(%dma_wait3A_98 : memref<64x128xf32, #tpu.memory_space<hbm>>) dst(%arg8 : memref<64x128xf32, #tpu.memory_space<vmem>>)
    %dma_wait3A_99 = arith.constant 0 : i32
    %dma_wait3A_100 = arith.constant 0 : i32
    %dma_wait3A_101 = tpu.memref_slice %arg2[%dma_wait3A_99, %dma_wait3A_100, %mul3A_32] : memref<676x64x1024xf32, #tpu.memory_space<hbm>> -> memref<1x64x128xf32, #tpu.memory_space<hbm>>
    %dma_wait3A_102 = tpu.memref_squeeze %dma_wait3A_101 : memref<1x64x128xf32, #tpu.memory_space<hbm>> -> memref<64x128xf32, #tpu.memory_space<hbm>>
    %dma_wait3A_103 = arith.constant 0 : i32
    %dma_wait3A_104 = tpu.memref_slice %arg2[%dma_wait3A_99, %dma_wait3A_103, %mul3A_32] : memref<676x64x1024xf32, #tpu.memory_space<hbm>> -> memref<1x64x128xf32, #tpu.memory_space<hbm>>
    %dma_wait3A_105 = tpu.memref_squeeze %dma_wait3A_104 : memref<1x64x128xf32, #tpu.memory_space<hbm>> -> memref<64x128xf32, #tpu.memory_space<hbm>>
    tpu.wait_dma2 semaphore(%arg15 : memref<!tpu.dma_semaphore, #tpu.memory_space<semaphore_mem>>) src(%dma_wait3A_105 : memref<64x128xf32, #tpu.memory_space<hbm>>) dst(%arg9 : memref<64x128xf32, #tpu.memory_space<vmem>>)
    %dma_wait3A_106 = arith.constant 0 : i32
    %dma_wait3A_107 = arith.constant 0 : i32
    %dma_wait3A_108 = tpu.memref_slice %arg5[%dma_wait3A_107, %dma_wait3A_106, %mul3A_32] : memref<194x351x1024xf32, #tpu.memory_space<hbm>> -> memref<194x1x128xf32, #tpu.memory_space<hbm>>
    %dma_wait3A_109 = tpu.memref_squeeze %dma_wait3A_108 : memref<194x1x128xf32, #tpu.memory_space<hbm>> -> memref<194x128xf32, #tpu.memory_space<hbm>>
    %dma_wait3A_110 = arith.constant 0 : i32
    %dma_wait3A_111 = tpu.memref_slice %arg5[%dma_wait3A_110, %dma_wait3A_106, %mul3A_32] : memref<194x351x1024xf32, #tpu.memory_space<hbm>> -> memref<194x1x128xf32, #tpu.memory_space<hbm>>
    %dma_wait3A_112 = tpu.memref_squeeze %dma_wait3A_111 : memref<194x1x128xf32, #tpu.memory_space<hbm>> -> memref<194x128xf32, #tpu.memory_space<hbm>>
    tpu.wait_dma2 semaphore(%arg16 : memref<!tpu.dma_semaphore, #tpu.memory_space<semaphore_mem>>) src(%arg10 : memref<194x128xf32, #tpu.memory_space<vmem>>) dst(%dma_wait3A_112 : memref<194x128xf32, #tpu.memory_space<hbm>>)
    %dma_wait3A_113 = arith.constant 0 : i32
    %dma_wait3A_114 = arith.constant 0 : i32
    %dma_wait3A_115 = tpu.memref_slice %arg2[%dma_wait3A_113, %dma_wait3A_114, %mul3A_32] : memref<676x64x1024xf32, #tpu.memory_space<hbm>> -> memref<1x64x128xf32, #tpu.memory_space<hbm>>
    %dma_wait3A_116 = tpu.memref_squeeze %dma_wait3A_115 : memref<1x64x128xf32, #tpu.memory_space<hbm>> -> memref<64x128xf32, #tpu.memory_space<hbm>>
    %dma_wait3A_117 = arith.constant 0 : i32
    %dma_wait3A_118 = tpu.memref_slice %arg2[%dma_wait3A_113, %dma_wait3A_117, %mul3A_32] : memref<676x64x1024xf32, #tpu.memory_space<hbm>> -> memref<1x64x128xf32, #tpu.memory_space<hbm>>
    %dma_wait3A_119 = tpu.memref_squeeze %dma_wait3A_118 : memref<1x64x128xf32, #tpu.memory_space<hbm>> -> memref<64x128xf32, #tpu.memory_space<hbm>>
    tpu.wait_dma2 semaphore(%arg17 : memref<!tpu.dma_semaphore, #tpu.memory_space<semaphore_mem>>) src(%dma_wait3A_119 : memref<64x128xf32, #tpu.memory_space<hbm>>) dst(%arg11 : memref<64x128xf32, #tpu.memory_space<vmem>>)
    %dma_wait3A_120 = arith.constant 0 : i32
    %dma_wait3A_121 = arith.constant 0 : i32
    %dma_wait3A_122 = tpu.memref_slice %arg2[%dma_wait3A_120, %dma_wait3A_121, %mul3A_32] : memref<676x64x1024xf32, #tpu.memory_space<hbm>> -> memref<1x64x128xf32, #tpu.memory_space<hbm>>
    %dma_wait3A_123 = tpu.memref_squeeze %dma_wait3A_122 : memref<1x64x128xf32, #tpu.memory_space<hbm>> -> memref<64x128xf32, #tpu.memory_space<hbm>>
    %dma_wait3A_124 = arith.constant 0 : i32
    %dma_wait3A_125 = tpu.memref_slice %arg2[%dma_wait3A_120, %dma_wait3A_124, %mul3A_32] : memref<676x64x1024xf32, #tpu.memory_space<hbm>> -> memref<1x64x128xf32, #tpu.memory_space<hbm>>
    %dma_wait3A_126 = tpu.memref_squeeze %dma_wait3A_125 : memref<1x64x128xf32, #tpu.memory_space<hbm>> -> memref<64x128xf32, #tpu.memory_space<hbm>>
    tpu.wait_dma2 semaphore(%arg18 : memref<!tpu.dma_semaphore, #tpu.memory_space<semaphore_mem>>) src(%dma_wait3A_126 : memref<64x128xf32, #tpu.memory_space<hbm>>) dst(%arg12 : memref<64x128xf32, #tpu.memory_space<vmem>>)
    %dma_wait3A_127 = arith.constant 0 : i32
    %dma_wait3A_128 = arith.constant 0 : i32
    %dma_wait3A_129 = tpu.memref_slice %arg5[%dma_wait3A_128, %dma_wait3A_127, %mul3A_32] : memref<194x351x1024xf32, #tpu.memory_space<hbm>> -> memref<194x1x128xf32, #tpu.memory_space<hbm>>
    %dma_wait3A_130 = tpu.memref_squeeze %dma_wait3A_129 : memref<194x1x128xf32, #tpu.memory_space<hbm>> -> memref<194x128xf32, #tpu.memory_space<hbm>>
    %dma_wait3A_131 = arith.constant 0 : i32
    %dma_wait3A_132 = tpu.memref_slice %arg5[%dma_wait3A_131, %dma_wait3A_127, %mul3A_32] : memref<194x351x1024xf32, #tpu.memory_space<hbm>> -> memref<194x1x128xf32, #tpu.memory_space<hbm>>
    %dma_wait3A_133 = tpu.memref_squeeze %dma_wait3A_132 : memref<194x1x128xf32, #tpu.memory_space<hbm>> -> memref<194x128xf32, #tpu.memory_space<hbm>>
    tpu.wait_dma2 semaphore(%arg19 : memref<!tpu.dma_semaphore, #tpu.memory_space<semaphore_mem>>) src(%arg13 : memref<194x128xf32, #tpu.memory_space<vmem>>) dst(%dma_wait3A_133 : memref<194x128xf32, #tpu.memory_space<hbm>>)
    return
  }
}

</mosaic_0001>

<sc_bundles>
// kernel: kernel.3.cloned.1.call-start
scs
__scs_entry_jumppad:
0x0: {  	(pc) =	sbr.rel $0x88, $3  }
0x1: {  	(tag) =	ssettag $0x0;
	lr =	simm.s32 $0x1  }
0x2: {  	[smem:$0x3FA0] =	sst lr;
	_ =	strace $0xD0000000  }
0x3: {  	_ = 	snop  }
0x4: {  	_ = 	snop  }
0x5: {  	_ = 	snop  }
0x6: {  	_ = 	snop  }
0x7: {  	_ = 	snop  }
__scs_overlays_trampoline_lowered:
0x8: {  	[smem:$0x3FAF] =	sst s0  }
0x9: {  	[smem:$0x3FB0] =	sst s1  }
0xa: {  	[smem:$0x3FB1] =	sst s2  }
0xb: {  	[smem:$0x3FB2] =	sst s3  }
0xc: {  	[smem:$0x3FB3] =	sst s4  }
0xd: {  	[smem:$0x3FB4] =	sst s5  }
0xe: {  	[smem:$0x3FB5] =	sst s6  }
0xf: {  	[smem:$0x3FB6] =	sst s7  }
0x10: {  	[smem:$0x3FB7] =	sst s8  }
0x11: {  	[smem:$0x3FB8] =	sst s9;
	s0 =	simm.s32 @!p0 $0x0  }
0x12: {  	s1 =	sld [smem:$0x3F9E];
	s0 =	simm.s32 @p0 $0x1  }
0x13: {  	[smem:$0x3FB9] =	sst s0;
	s0 =	simm.s32 @!p1 $0x0  }
0x14: {  	s2 =	sld [smem:$0x3F9D];
	s0 =	simm.s32 @p1 $0x1  }
0x15: {  	[smem:$0x3FBA] =	sst s0;
	s0 =	simm.s32 @!p2 $0x0  }
0x16: {  	s3 =	sld [smem:$0x3FDB];
	s0 =	simm.s32 @p2 $0x1  }
0x17: {  	s4 =	simm.s32 $0x1BF5;
	[smem:$0x3FBC] =	sst s0  }
0x18: {  	s0 =	sld [smem:$0x3F9F];
	_ =	swait.ge [sflag:s4], $0x0  }
0x19: {  	s7 =	sld [smem:$0x3FA0]  }
0x1a: {  	s8 =	sadd.s32 $0xFFFFE003, lr  }
0x1b: {  	s9 =	sadd.s32 $0xFFFFFEF7, lr;
	s5 =	simm.s32 $0xFFFFFFFF;
	p2 =	slt.u32 s8, $0xFFFFF086  }
0x1c: {  	p1 =	slt.u32 s9, $0xF7A;
	s5 =	simm.s32 @!p2 $0x0  }
0x1d: {  	s5 =	simm.s32 @p1 $0x1;
	p0 =	seq.s32 s7, s2  }
0x1e: {  	s7 =	smul.u32 @!p0 $0xF7A, s2;
	p2 =	seq.s32 @!p0 s5, $0x0  }
0x1f: {  	s9 =	smul.u32 $0xF7A, s1;
	s8 =	simm.s32 @!p0 $0x1BF5;
	p2 =	por !p2, p0  }
0x20: {  	[sflag:s8] =	ssyncset.s32 @!p0 $0xFFFFF086;
	s6 =	sadd.s32 @!p0 s3, s7;
	s7 =	simm.s32 @!p0 $0x108  }
0x21: {  	s3 =	sadd.s32 s3, s9;
	s6 =	sadd.s32 @!p0 $0x88, s6;
	s7 =	simm.s32 @p2 $0x1082  }
0x22: {  	[simem:s7], [sflag:s8] =	dma.local @!p0 [hbm:s6], $0xF7A  }
0x23: {  	s9 =	sor.u32 $0xD0000000, s2;
	s6 =	simm.s32 $0x108;
	_ =	swait.ge @!p0 [sflag:s8], $0x0  }
0x24: {  	s3 =	sadd.s32 $0x88, s3;
	s6 =	simm.s32 @!p1 $0x1082;
	[sflag:s4] =	ssyncset.s32 $0xFFFFF086  }
0x25: {  	[simem:s6], [sflag:s4] =	dma.local [hbm:s3], $0xF7A  }
0x26: {  	[smem:$0x3FA0] =	sst s1;
	(tag) =	ssettag s2;
	_ =	strace s9  }
0x27: {  	s1 =	sld [smem:$0x3FB0]  }
0x28: {  	s2 =	sld [smem:$0x3FB1]  }
0x29: {  	s4 =	sld [smem:$0x3FB3]  }
0x2a: {  	p0 =	seq.s32 s5, $0x0;
	s5 =	sld [smem:$0x3FB4]  }
0x2b: {  	s6 =	sld [smem:$0x3FB5]  }
0x2c: {  	s7 =	sld [smem:$0x3FB6]  }
0x2d: {  	s3 =	simm.s32 $0x108;
	s8 =	sld [smem:$0x3FB7]  }
0x2e: {  	s3 =	simm.s32 @!p0 $0x1082;
	s9 =	sld [smem:$0x3FB8]  }
0x2f: {  	lr =	sadd.s32 s0, s3;
	s0 =	sld [smem:$0x3FAF]  }
0x30: {  	s3 =	sld [smem:$0x3FB2]  }
0x31: {  	[smem:$0x3FBB] =	sst s10  }
0x32: {  	s10 =	sld [smem:$0x3FB9];
	_ =	sdelay $0x3  }
0x33: {  	p0 =	seq.s32 s10, $0x1;
	s10 =	sld [smem:$0x3FBB];
	_ =	sdelay $0x3  }
0x34: {  	[smem:$0x3FBB] =	sst s10  }
0x35: {  	s10 =	sld [smem:$0x3FBA];
	_ =	sdelay $0x3  }
0x36: {  	p1 =	seq.s32 s10, $0x1;
	s10 =	sld [smem:$0x3FBB];
	_ =	sdelay $0x3  }
0x37: {  	[smem:$0x3FBB] =	sst s10  }
0x38: {  	s10 =	sld [smem:$0x3FBC]  }
0x39: {  	_ = 	snop;
	(pc) =	sbr.ind lr, $3  }
0x3a: {  	_ = 	snop  }
0x3b: {  	_ = 	snop  }
0x3c: {  	p2 =	seq.s32 s10, $0x1;
	s10 =	sld [smem:$0x3FBB]  }
0x3d: {  	_ =	shalt  }
0x3e: {  	_ =	shalt  }
0x3f: {  	_ =	shalt  }
0x40: {  	_ =	shalt  }
0x41: {  	_ =	shalt  }
0x42: {  	_ =	shalt  }
0x43: {  	_ =	shalt  }
0x44: {  	_ =	shalt  }
0x45: {  	_ =	shalt  }
0x46: {  	_ =	shalt  }
0x47: {  	_ =	shalt  }
0x48: {  	_ =	shalt  }
0x49: {  	_ =	shalt  }
0x4a: {  	_ =	shalt  }
0x4b: {  	_ =	shalt  }
0x4c: {  	_ =	shalt  }
0x4d: {  	_ =	shalt  }
0x4e: {  	_ =	shalt  }
0x4f: {  	_ =	shalt  }
0x50: {  	_ =	shalt  }
0x51: {  	_ =	shalt  }
0x52: {  	_ =	shalt  }
0x53: {  	_ =	shalt  }
0x54: {  	_ =	shalt  }
0x55: {  	_ =	shalt  }
0x56: {  	_ =	shalt  }
0x57: {  	_ =	shalt  }
0x58: {  	_ =	shalt  }
0x59: {  	_ =	shalt  }
0x5a: {  	_ =	shalt  }
0x5b: {  	_ =	shalt  }
0x5c: {  	_ =	shalt  }
0x5d: {  	_ =	shalt  }
0x5e: {  	_ =	shalt  }
0x5f: {  	_ =	shalt  }
0x60: {  	_ =	shalt  }
0x61: {  	_ =	shalt  }
0x62: {  	_ =	shalt  }
0x63: {  	_ =	shalt  }
0x64: {  	_ =	shalt  }
0x65: {  	_ =	shalt  }
0x66: {  	_ =	shalt  }
0x67: {  	_ =	shalt  }
0x68: {  	_ =	shalt  }
0x69: {  	_ =	shalt  }
0x6a: {  	_ =	shalt  }
0x6b: {  	_ =	shalt  }
0x6c: {  	_ =	shalt  }
0x6d: {  	_ =	shalt  }
0x6e: {  	_ =	shalt  }
0x6f: {  	_ =	shalt  }
0x70: {  	_ =	shalt  }
0x71: {  	_ =	shalt  }
0x72: {  	_ =	shalt  }
0x73: {  	_ =	shalt  }
0x74: {  	_ =	shalt  }
0x75: {  	_ =	shalt  }
0x76: {  	_ =	shalt  }
0x77: {  	_ =	shalt  }
0x78: {  	_ =	shalt  }
0x79: {  	_ =	shalt  }
0x7a: {  	_ =	shalt  }
0x7b: {  	_ =	shalt  }
0x7c: {  	_ =	shalt  }
0x7d: {  	_ =	shalt  }
0x7e: {  	_ =	shalt  }
0x7f: {  	_ =	shalt  }
0x80: {  	_ =	shalt  }
0x81: {  	_ =	shalt  }
0x82: {  	_ =	shalt  }
0x83: {  	_ =	shalt  }
0x84: {  	_ =	shalt  }
0x85: {  	_ =	shalt  }
0x86: {  	_ =	shalt  }
0x87: {  	_ =	shalt  }
.Lfunc_end0:
.L_simem_size_0:
called_computation_lowered:
.L_overlay_start_0:
0x88: {  	s2 =	sld [smem:$0x3FD9]  }
0x89: {  	s3 =	sld [smem:$0x3FFE];
	_ =	sdelay $0x1  }
0x8a: {  	s1 =	srdreg.scid  }
0x8b: {  	s0 =	sand.u32 $0x1, s1  }
0x8c: {  	s17 =	sshll.u32 s0, $0xA;
	s2 =	sadd.s32 s3, s2  }
0x8d: {  	s2 =	sadd.s32 s2, s17  }
0x8e: {  	[smem:$0x3FC7] =	sst s2  }
0x8f: {  	_ = 	snop  }
0x90: {  	s2 =	sld [smem:$0x3FC9]  }
0x91: {  	s18 =	sld [smem:$0x3FD0];
	(tm) =	ssettm $0x1  }
0x92: {  	s4 =	sld [smem:$0x3FFB];
	_ =	sdelay $0x3  }
0x93: {  	_ =	strace s4  }
0x94: {  	s4 =	sld [smem:$0x3FFC];
	_ =	sdelay $0x3  }
0x95: {  	_ =	strace s4  }
0x96: {  	s4 =	sld [smem:$0x3FFD];
	_ =	sdelay $0x3  }
0x97: {  	_ =	strace s4  }
0x98: {  	_ =	strace $0x8FFFFFFF  }
0x99: {  	s19 =	sld [smem:$0x3FDB];
	_ =	sdelay $0x1  }
0x9a: {  	s5 =	simm.s32 $_scs_section_size  }
0x9b: {  	s6 =	simm.s32 $_size__tile_overlayer_lowered;
	s7 =	simm.s32 $_tile_overlayer_lowered  }
0x9c: {  	s22 =	simm.s32 $0x1BFF;
	s21 =	sshll.u32 s7, $0x1;
	s4 =	sadd.s32 s5, s19  }
0x9d: {  	s8 =	simm.s32 $0x0;
	s20 =	sshll.u32 s6, $0x1;
	s6 =	sadd.s32 s21, s4  }
0x9e: {  	[timem:s8], [sflag:s22] =	dma.local [hbm:s6], s20  }
0x9f: {  	_ =	swait.ge [sflag:s22], s20  }
0xa0: {  	s5 =	ssub.s32 $0x0, s20;
	[sflag:s22] =	ssyncset.done $0x0  }
0xa1: {  	[sflag:s22] =	ssyncadd.s32 s5;
	_ =	sdelay $0x1  }
0xa2: {  	s23 =	simm.s32 $0x1B8B  }
0xa3: {  	_ =	swait.ge [sflag:s23], $0x1  }
0xa4: {  	[sflag:s23] =	ssyncset.done $0x0  }
0xa5: {  	s25 =	simm.s32 $0x1B8E;
	s24 =	sld [smem:$0x3FFE];
	[sflag:s23] =	ssyncadd.s32 $0xFFFFFFFF  }
0xa6: {  	s26 =	simm.s32 $execute0_lowered;
	[smem:$0x3FD2] =	sst s25  }
0xa7: {  	s6 =	sshll.u32 s26, $0x1;
	_ =	strace $0x80000046;
	[dreg:$0x1] =	wrdreg $0xFFFFFFFF  }
0xa8: {  	s28 =	simm.s32 $_size_execute0_lowered;
	s4 =	sadd.s32 s4, s6;
	[dreg:$0x0] =	wrdreg $0x0  }
0xa9: {  	s6 =	sshll.u32 s28, $0x1;
	[dreg:$0x2] =	wrdreg s4  }
0xaa: {  	[dreg:$0x3] =	wrdreg s6  }
0xab: {  	[dreg:$0x4] =	wrdreg $0xC0  }
0xac: {  	_ =	task [dreg:s8], $0x5FFFF  }
0xad: {  	[dreg:$0x1] =	wrdreg $0xFFFFFFFF  }
0xae: {  	[dreg:$0x0] =	wrdreg $0x60  }
0xaf: {  	[dreg:$0x2] =	wrdreg s2  }
0xb0: {  	[dreg:$0x3] =	wrdreg s24  }
0xb1: {  	[dreg:$0x4] =	wrdreg s18  }
0xb2: {  	[dreg:$0x5] =	wrdreg $0x9  }
0xb3: {  	_ =	task.clear_ibuf [dreg:s8], $0x6FFFF;
	_ =	strace $0x90000046  }
0xb4: {  	s29 =	simm.s32 $0x9;
	_ =	strace $0x80000048  }
0xb5: {  	_ =	swait.ge [sflag:s29], $0x1  }
0xb6: {  	[sflag:s29] =	ssyncadd.s32 $0xFFFFFFFF  }
0xb7: {  	_ =	strace $0x90000048  }
0xb8: {  	_ =	sfence  }
0xb9: {  	s30 =	sld [smem:$0x0];
	_ =	sdelay $0x2  }
0xba: {  	s31 =	sshll.u32 s1, $0xD;
	s1 =	sshrl.u32 s1, $0x2  }
0xbb: {  	s3 =	sand.u32 $0x4000, s31;
	s1 =	sadd.s32 s1, s30  }
0xbc: {  	s0 =	sor.u32 s3, s0;
	s1 =	sshll.u32 s1, $0x11  }
0xbd: {  	s0 =	sor.u32 s1, s0  }
0xbe: {  	s0 =	sadd.s32 $0x8F2B, s0  }
0xbf: {  	[sflag:s0] =	ssyncadd.remote.s32 $0x1  }
0xc0: {  	_ =	sfence.sel $0xFFFF  }
0xc1: {  	[dreg:$0x0] =	wrdreg $0xFFFFFFFF;
	(pc) =	sbr.abs _section_cstart, $3  }
0xc2: {  	[dreg:$0x1] =	wrdreg $0xFFFFFFFF  }
0xc3: {  	_ =	task.clear_ibuf [dreg:s8], $0x2FFFF;
	_ =	strace $0x9FFFFFFF  }
0xc4: {  	(tm) =	ssettm $0x7FFFFFFF  }
0xc5: {  	_ =	shalt  }
tec
execute0_lowered:
.L_overlay_start_1:
0x0: {  	(tag) =	ssettag $0x1  }
0x1: {  	s1 =	rddreg [dreg:$0x0]  }
0x2: {  	s0 =	rddreg [dreg:$0x1]  }
0x3: {  	s3 =	rddreg [dreg:$0x2];
	s2 =	simm.s32 $0x0;
	s5 =	stileid.u32  }
0x4: {  	s22 =	srdreg.scid;
	s13 =	simm.s32 $0x7;
	s15 =	simm.s32 $0x400  }
0x5: {  	s16 =	simm.s32 $0x2000;
	s17 =	simm.s32 $0x300;
	s18 =	simm.s32 $0x2300  }
0x6: {  	s19 =	simm.s32 $0xA700;
	s20 =	simm.s32 $0xC700;
	s21 =	simm.s32 $0x1  }
0x7: {  	s28 =	simm.s32 $0x5;
	s29 =	simm.s32 $0xE700;
	s30 =	simm.s32 $0x3  }
0x8: {  	s31 =	simm.s32 $0x6;
	[smem:$0x7FF] =	sst s2;
	s4 =	sshrl.u32 s5, $0x2  }
0x9: {  	s6 =	sadd.s32 $0x400, s0;
	s2 =	sand.u32 $0x1, s22;
	s0 =	sadd.s32 $0x600, s0  }
0xa: {  	s24 =	sshll.u32 s5, $0x1;
	_ =	strace $0x80000047;
	[dreg:$0x4] =	wrdreg s6  }
0xb: {  	s22 =	simm.s32 $0x2;
	s6 =	smul.u32 $0x58, s4;
	[dreg:$0x5] =	wrdreg s0  }
0xc: {  	s23 =	ssub.s32 $0x2, s2;
	s4 =	sand.u32 $0x6, s24;
	s24 =	simm.s32 $0x58000  }
0xd: {  	s25 =	sshrl.u32 s23, $0x1;
	s2 =	sor.u32 s2, s4;
	s7 =	smin.u32 s6, $0x107  }
0xe: {  	s0 =	ssub.s32 s23, s25;
	s9 =	sshll.u32 s2, $0xA;
	s26 =	sor.u32 $0x1, s6  }
0xf: {  	s23 =	simm.s32 $0x80;
	s25 =	simm.s32 $0x4300;
	s8 =	sadd.s32 $0x57, s7  }
0x10: {  	s0 =	smax.u32 s0, $0x1;
	s10 =	smin.u32 s6, s8;
	s11 =	smin.u32 s26, s8  }
0x11: {  	[dreg:$0x6] =	wrdreg s0;
	s26 =	simm.s32 $0x4;
	s0 =	simm.s32 $0x0  }
.LBB2_1:
0x12: {  	s2 =	simm.s32 $0x0;
	s4 =	rddreg [dreg:$0x4]  }
0x13: {  	[tilespmem:s2], [sflag:$0x7] =	stream.linear.gather [hbm4b:s4+s2], $0x180, $0x38;
	[tilespmem:$0x14B00] =	vst v63  }
0x14: {  	_ =	swait.ge [sflag:s13], $0x180  }
0x15: {  	[sflag:s13] =	ssyncset.done $0x0  }
0x16: {  	s5 =	simm.s32 $0x180;
	s14 =	rddreg [dreg:$0x5];
	[sflag:s13] =	ssyncadd.s32 $0xFFFFFE80  }
0x17: {  	[tilespmem:s5], [sflag:$0x7] =	stream.linear.gather [hbm4b:s14+s2], $0x180, $0x38;
	[tilespmem:$0x14B00] =	vst v63  }
0x18: {  	_ =	swait.ge [sflag:s13], $0x180  }
0x19: {  	[sflag:s13] =	ssyncset.done $0x0  }
0x1a: {  	[sflag:s13] =	ssyncadd.s32 $0xFFFFFE80  }
0x1b: {  	v0 =	vld [tilespmem:s10+$0x0];
	_ =	sdelay $0x3  }
0x1c: {  	v61 =	vld [tilespmem:s10+$0x180]  }
0x1d: {  	(v2sf) =	vpush v0, $0x0;
	_ =	sdelay $0x3  }
0x1e: {  	(v2sf) =	vpush v61, $0x0;
	_ =	sdelay $0xa  }
0x1f: {  	s5 =	spop (v2sf)  }
0x20: {  	s2 =	sshll.u32 s5, $0x10  }
0x21: {  	s2 =	sor.u32 s9, s2  }
0x22: {  	s2 =	sshrl.u32 s2, $0x3  }
0x23: {  	s7 =	spop (v2sf);
	s2 =	sadd.s32 s1, s2  }
0x24: {  	[tilespmem:s17], [sflag:$0x1] =	stream.strided.gather [hbm4b:s2+s15], $0x2000, s16, s15, $0x38;
	[tilespmem:$0x14B00] =	vst v63  }
0x25: {  	s2 =	sshll.u32 s7, $0x10  }
0x26: {  	s2 =	sor.u32 s9, s2  }
0x27: {  	s2 =	sshrl.u32 s2, $0x3  }
0x28: {  	s2 =	sadd.s32 s1, s2  }
0x29: {  	[tilespmem:s18], [sflag:$0x2] =	stream.strided.gather [hbm4b:s2+s15], $0x2000, s16, s15, $0x38;
	[tilespmem:$0x14B00] =	vst v63  }
0x2a: {  	v62 =	vld [tilespmem:s11+$0x0];
	_ =	sdelay $0x3  }
0x2b: {  	v63 =	vld [tilespmem:s11+$0x180]  }
0x2c: {  	(v2sf) =	vpush v62, $0x0;
	_ =	sdelay $0x3  }
0x2d: {  	(v2sf) =	vpush v63, $0x0;
	_ =	sdelay $0xa  }
0x2e: {  	s12 =	spop (v2sf)  }
0x2f: {  	s2 =	sshll.u32 s12, $0x10  }
0x30: {  	s2 =	sor.u32 s9, s2  }
0x31: {  	s2 =	sshrl.u32 s2, $0x3  }
0x32: {  	s14 =	spop (v2sf);
	s2 =	sadd.s32 s1, s2  }
0x33: {  	[tilespmem:s19], [sflag:$0x4] =	stream.strided.gather [hbm4b:s2+s15], $0x2000, s16, s15, $0x38;
	[tilespmem:$0x14B00] =	vst v63  }
0x34: {  	s2 =	sshll.u32 s14, $0x10  }
0x35: {  	s2 =	sor.u32 s9, s2  }
0x36: {  	s2 =	sshrl.u32 s2, $0x3  }
0x37: {  	s2 =	sadd.s32 s1, s2  }
0x38: {  	[tilespmem:s20], [sflag:$0x5] =	stream.strided.gather [hbm4b:s2+s15], $0x2000, s16, s15, $0x38;
	[tilespmem:$0x14B00] =	vst v63  }
0x39: {  	s2 =	simm.s32 $0x0  }
.LBB2_2:
0x3a: {  	_ =	swait.ge [sflag:s21], $0x2000  }
0x3b: {  	[sflag:s21] =	ssyncset.done $0x0  }
0x3c: {  	[sflag:s21] =	ssyncadd.s32 $0xFFFFE000  }
0x3d: {  	_ =	swait.ge [sflag:s22], $0x2000  }
0x3e: {  	p0 =	seq.s32 s2, $0x0;
	[sflag:s22] =	ssyncset.done $0x0  }
0x3f: {  	s4 =	simm.s32 @!p0 $0x3;
	[sflag:s22] =	ssyncadd.s32 $0xFFFFE000  }
0x40: {  	_ =	swait.ge @!p0 [sflag:s4], $0x6100  }
0x41: {  	[sflag:s4] =	ssyncset.done @!p0 $0x0  }
0x42: {  	s7 =	simm.s32 $0x0;
	[sflag:s4] =	ssyncadd.s32 @!p0 $0xFFFF9F00  }
0x43: {  	v0 =	vld [tilespmem:s7+$0x370]  }
0x44: {  	v1 =	vld [tilespmem:s7+$0x2370]  }
0x45: {  	v2 =	vld [tilespmem:s7+$0x300]  }
0x46: {  	v3 =	vld [tilespmem:s7+$0x2300]  }
0x47: {  	v4 =	vld [tilespmem:s7+$0x310]  }
0x48: {  	v5 =	vld [tilespmem:s7+$0x2310]  }
0x49: {  	v6 =	vld [tilespmem:s7+$0x320]  }
0x4a: {  	v8 =	vld [tilespmem:s7+$0x2320]  }
0x4b: {  	v14 =	vld [tilespmem:s7+$0x330];
	v7 =	vadd.f32 v1, v0  }
0x4c: {  	v17 =	vld [tilespmem:s7+$0x2330];
	v9 =	vsub.f32 v0, v1  }
0x4d: {  	v10 =	vsub.f32 v2, v3;
	[tilespmem:s7+$0x4370] =	vst v7  }
0x4e: {  	v24 =	vimm.f32 $0.0e+00;
	v11 =	vadd.f32 v5, v4;
	v15 =	vmul.f32 v1, v0;
	[tilespmem:s7+$0x6370] =	vst v9  }
0x4f: {  	v18 =	vld [tilespmem:s7+$0x2350];
	v13 =	vsub.f32 v4, v5;
	v4 =	vmul.f32 v5, v4;
	v19 =	vsub.f32 v6, v8;
	[tilespmem:s7+$0x6300] =	vst v10  }
0x50: {  	v1 =	vld [tilespmem:s7+$0x350];
	v7 =	vadd.f32 v3, v2;
	v2 =	vmul.f32 v3, v2;
	v9 =	vmul.f32 v9, v9;
	[tilespmem:s7+$0x4310] =	vst v11  }
0x51: {  	v22 =	vsub.f32 v14, v17;
	v0 =	vadd.f32 v15, v24;
	v10 =	vmul.f32 v10, v10;
	[tilespmem:s7+$0x6310] =	vst v13  }
0x52: {  	v21 =	vld [tilespmem:s7+$0x360];
	[tilespmem:s7+$0x8310] =	vst v4;
	v11 =	vadd.f32 v9, v24;
	v12 =	vadd.f32 v2, v24  }
0x53: {  	v3 =	vld [tilespmem:s7+$0x2340];
	v5 =	vmul.f32 v13, v13;
	[tilespmem:s7+$0x8300] =	vst v2;
	v2 =	vadd.f32 v8, v6;
	v16 =	vadd.f32 v10, v24  }
0x54: {  	[tilespmem:s7+$0x4300] =	vst v7;
	v7 =	vld [tilespmem:s7+$0x340];
	v10 =	vadd.f32 v4, v24;
	v4 =	vmul.f32 v8, v6;
	v6 =	vadd.f32 v17, v14  }
0x55: {  	v20 =	vmul.f32 v19, v19;
	[tilespmem:s7+$0x6320] =	vst v19;
	v8 =	vld [tilespmem:s7+$0x2360];
	v13 =	vadd.f32 v5, v24;
	v19 =	vsub.f32 v1, v18  }
0x56: {  	[tilespmem:s7+$0x4320] =	vst v2;
	v9 =	vadd.f32 v4, v24;
	v2 =	vmul.f32 v17, v14;
	v17 =	vmul.f32 v22, v22  }
0x57: {  	[tilespmem:s7+$0x6330] =	vst v22;
	v14 =	vadd.f32 v20, v24;
	v20 =	vadd.f32 v18, v1;
	v22 =	vmul.f32 v18, v1  }
0x58: {  	[tilespmem:s7+$0x4330] =	vst v6;
	v5 =	vadd.f32 v2, v24;
	v6 =	vadd.f32 v17, v24  }
0x59: {  	[tilespmem:s7+$0x8330] =	vst v2;
	v2 =	vadd.f32 v22, v24;
	v25 =	vadd.f32 v3, v7  }
0x5a: {  	v1 =	vmul.f32 v19, v19;
	v26 =	vsub.f32 v7, v3;
	v17 =	vsub.f32 v21, v8  }
0x5b: {  	[tilespmem:s7+$0x8320] =	vst v4;
	v4 =	vmul.f32 v3, v7;
	v23 =	vadd.f32 v8, v21;
	v21 =	vmul.f32 v8, v21  }
0x5c: {  	s14 =	sshll.u32 s2, $0x1;
	v8 =	vadd.f32 v1, v24;
	v7 =	vmul.f32 v26, v26;
	[tilespmem:s7+$0x4340] =	vst v25;
	v63 =	vmul.f32 v17, v17  }
0x5d: {  	s5 =	simm.s32 $0x80;
	s14 =	sadd.s32 s6, s14;
	v3 =	vadd.f32 v4, v24;
	[tilespmem:s7+$0x6340] =	vst v26;
	v1 =	vadd.f32 v21, v24  }
0x5e: {  	s12 =	simm.s32 $0x400;
	s4 =	smin.u32 s14, s8;
	v18 =	vld [tilespmem:s5+$0x370];
	[tilespmem:s7+$0x8340] =	vst v4;
	v7 =	vadd.f32 v7, v24;
	v4 =	vadd.f32 v63, v24  }
.LBB2_3:
0x5f: {  	p1 =	sne.s32 s12, $0x7E00;
	v24 =	vld [tilespmem:s5+$0x2370];
	[tilespmem:s7+$0x4350] =	vst v20  }
0x60: {  	v20 =	vld [tilespmem:s5+$0x300];
	[tilespmem:s7+$0x6350] =	vst v19  }
0x61: {  	v19 =	vld [tilespmem:s5+$0x2300];
	[tilespmem:s7+$0x8350] =	vst v22  }
0x62: {  	v22 =	vld [tilespmem:s5+$0x310];
	[tilespmem:s7+$0x4360] =	vst v23  }
0x63: {  	v23 =	vld [tilespmem:s5+$0x2310];
	[tilespmem:s7+$0x6360] =	vst v17  }
0x64: {  	v17 =	vld [tilespmem:s5+$0x320];
	v25 =	vadd.f32 v24, v18;
	v26 =	vsub.f32 v18, v24;
	v18 =	vmul.f32 v24, v18;
	[tilespmem:s7+$0x8360] =	vst v21  }
0x65: {  	v21 =	vld [tilespmem:s5+$0x2320];
	[tilespmem:s7+$0x8370] =	vst v15;
	s7 =	smov.u32 s5  }
0x66: {  	v24 =	vadd.f32 v19, v20;
	v27 =	vsub.f32 v20, v19;
	v28 =	vld [tilespmem:s7+$0x330];
	[tilespmem:s7+$0x4370] =	vst v25;
	v25 =	vmul.f32 v26, v26  }
0x67: {  	v19 =	vmul.f32 v19, v20;
	v0 =	vadd.f32 v18, v0;
	v15 =	vmov v18;
	v20 =	vld [tilespmem:s7+$0x2330];
	[tilespmem:s7+$0x6370] =	vst v26  }
0x68: {  	[tilespmem:s7+$0x4300] =	vst v24;
	v18 =	vmul.f32 v27, v27;
	v24 =	vsub.f32 v22, v23;
	v26 =	vld [tilespmem:s7+$0x340];
	v11 =	vadd.f32 v25, v11  }
0x69: {  	v12 =	vadd.f32 v19, v12;
	v25 =	vadd.f32 v23, v22;
	v22 =	vmul.f32 v23, v22;
	[tilespmem:s7+$0x6300] =	vst v27;
	v23 =	vld [tilespmem:s7+$0x2340]  }
0x6a: {  	[tilespmem:s7+$0x8300] =	vst v19;
	v19 =	vmul.f32 v24, v24;
	v27 =	vadd.f32 v21, v17;
	v29 =	vsub.f32 v17, v21;
	v30 =	vld [tilespmem:s7+$0x350]  }
0x6b: {  	v16 =	vadd.f32 v18, v16;
	v10 =	vadd.f32 v22, v10;
	v17 =	vmul.f32 v21, v17;
	[tilespmem:s7+$0x4310] =	vst v25;
	v18 =	vld [tilespmem:s7+$0x2350]  }
0x6c: {  	[tilespmem:s7+$0x6310] =	vst v24;
	v21 =	vmul.f32 v29, v29;
	v24 =	vadd.f32 v20, v28;
	v25 =	vsub.f32 v28, v20;
	v31 =	vld [tilespmem:s7+$0x360]  }
0x6d: {  	v13 =	vadd.f32 v19, v13;
	v9 =	vadd.f32 v17, v9;
	v28 =	vmul.f32 v20, v28;
	[tilespmem:s7+$0x8310] =	vst v22;
	v32 =	vld [tilespmem:s7+$0x2360]  }
0x6e: {  	[tilespmem:s7+$0x4320] =	vst v27;
	v22 =	vmul.f32 v25, v25;
	v27 =	vadd.f32 v23, v26;
	v33 =	vsub.f32 v26, v23  }
0x6f: {  	v14 =	vadd.f32 v21, v14;
	v5 =	vadd.f32 v28, v5;
	v26 =	vmul.f32 v23, v26;
	[tilespmem:s7+$0x6320] =	vst v29  }
0x70: {  	[tilespmem:s7+$0x8320] =	vst v17;
	v21 =	vmul.f32 v33, v33;
	v20 =	vadd.f32 v18, v30;
	v19 =	vsub.f32 v30, v18  }
0x71: {  	v6 =	vadd.f32 v22, v6;
	v3 =	vadd.f32 v26, v3;
	v22 =	vmul.f32 v18, v30;
	[tilespmem:s7+$0x4330] =	vst v24  }
.Ltmp0:
0x72: {  	[tilespmem:s7+$0x6330] =	vst v25;
	v18 =	vmul.f32 v19, v19;
	v23 =	vadd.f32 v32, v31;
	v17 =	vsub.f32 v31, v32;
	(pc) =	sbr.rel @p1 .LBB2_3-.Ltmp0, $4  }
0x73: {  	v7 =	vadd.f32 v21, v7;
	v2 =	vadd.f32 v22, v2;
	v21 =	vmul.f32 v32, v31;
	[tilespmem:s7+$0x8330] =	vst v28  }
0x74: {  	[tilespmem:s7+$0x4340] =	vst v27;
	v8 =	vadd.f32 v18, v8;
	v24 =	vmul.f32 v17, v17  }
0x75: {  	s5 =	sshra.s32 s12, $0x2;
	v1 =	vadd.f32 v21, v1;
	[tilespmem:s7+$0x6340] =	vst v33  }
0x76: {  	s12 =	sadd.s32 $0x200, s12;
	v18 =	vld [tilespmem:s5+$0x370];
	[tilespmem:s7+$0x8340] =	vst v26;
	v4 =	vadd.f32 v24, v4  }
0x77: {  	v24 =	vld [tilespmem:s5+$0x2370];
	[tilespmem:s7+$0x4350] =	vst v20  }
0x78: {  	v20 =	vld [tilespmem:s5+$0x300];
	[tilespmem:s7+$0x6350] =	vst v19  }
0x79: {  	v19 =	vld [tilespmem:s5+$0x2300];
	[tilespmem:s7+$0x8350] =	vst v22  }
0x7a: {  	v22 =	vld [tilespmem:s5+$0x310];
	[tilespmem:s7+$0x4360] =	vst v23  }
0x7b: {  	v25 =	vld [tilespmem:s5+$0x2310];
	[tilespmem:s7+$0x6360] =	vst v17  }
0x7c: {  	v26 =	vld [tilespmem:s5+$0x320];
	[tilespmem:s7+$0x8360] =	vst v21  }
0x7d: {  	v27 =	vld [tilespmem:s5+$0x2320];
	[tilespmem:s7+$0x8370] =	vst v15  }
0x7e: {  	v21 =	vsub.f32 v18, v24;
	v30 =	vld [tilespmem:s5+$0x330]  }
0x7f: {  	v23 =	vsub.f32 v20, v19;
	v33 =	vadd.f32 v19, v20;
	v19 =	vmul.f32 v19, v20;
	v20 =	vld [tilespmem:s5+$0x2330]  }
0x80: {  	v31 =	vmul.f32 v21, v21;
	[tilespmem:s5+$0x6370] =	vst v21;
	v21 =	vld [tilespmem:s5+$0x340]  }
0x81: {  	v61 =	vld [tilespmem:s5+$0x2340]  }
0x82: {  	v63 =	vld [tilespmem:s5+$0x350];
	v17 =	vmul.f32 v23, v23;
	v28 =	vsub.f32 v22, v25;
	v11 =	vadd.f32 v31, v11  }
0x83: {  	v36 =	vld [tilespmem:s5+$0x2350];
	v12 =	vadd.f32 v19, v12;
	[tilespmem:s5+$0x6300] =	vst v23;
	v23 =	vmul.f32 v25, v22;
	v22 =	vadd.f32 v25, v22  }
0x84: {  	v16 =	vadd.f32 v17, v16;
	v17 =	vadd.f32 v24, v18  }
0x85: {  	[tilespmem:s5+$0x8300] =	vst v19;
	v19 =	vadd.f32 v27, v26;
	v10 =	vadd.f32 v23, v10  }
0x86: {  	[tilespmem:s5+$0x4310] =	vst v22;
	v22 =	vadd.f32 v20, v30;
	v15 =	vshrl.u32 v16, $0x1;
	v29 =	vmul.f32 $5.000000000e-01, v16  }
0x87: {  	v39 =	vadd.f32 v61, v21;
	v32 =	vsub.s32 $0x5F3759DF, v15;
	v15 =	vmul.f32 v28, v28  }
0x88: {  	v40 =	vsub.f32 v63, v36;
	[tilespmem:s5+$0x4370] =	vst v17;
	vm0 =	vgt.f32 v16, $0.0e+00;
	v17 =	vmul.f32 v32, v29  }
0x89: {  	v15 =	vadd.f32 v15, v13;
	v13 =	vmul.f32 v24, v18;
	v18 =	vsub.f32 v26, v27  }
0x8a: {  	[tilespmem:s5+$0x6310] =	vst v28;
	v28 =	vsub.f32 v30, v20;
	v20 =	vmul.f32 v20, v30;
	v17 =	vmul.f32 v32, v17  }
0x8b: {  	v58 =	vshrl.u32 v15, $0x1;
	v59 =	vmul.f32 $5.000000000e-01, v15;
	v60 =	vmul.f32 v18, v18  }
0x8c: {  	[tilespmem:s5+$0x8310] =	vst v23;
	v23 =	vmul.f32 v28, v28;
	v17 =	vsub.f32 $1.500000000e+00, v17;
	v24 =	vsub.s32 $0x5F3759DF, v58  }
0x8d: {  	v49 =	vmul.f32 v40, v40;
	v62 =	vmul.f32 v24, v59;
	v14 =	vadd.f32 v60, v14  }
0x8e: {  	v26 =	vmul.f32 v27, v26;
	v23 =	vadd.f32 v23, v6;
	v17 =	vmul.f32 v32, v17  }
0x8f: {  	v32 =	vmul.f32 v24, v62;
	v34 =	vshrl.u32 v14, $0x1;
	v35 =	vmul.f32 $5.000000000e-01, v14  }
0x90: {  	v5 =	vadd.f32 v20, v5;
	v44 =	vmul.f32 v17, v29;
	v34 =	vsub.s32 $0x5F3759DF, v34  }
0x91: {  	v51 =	vshrl.u32 v23, $0x1;
	v32 =	vsub.f32 $1.500000000e+00, v32;
	v37 =	vmul.f32 v34, v35  }
0x92: {  	v38 =	vld [tilespmem:s5+$0x360];
	[tilespmem:s5+$0x4300] =	vst v33;
	v43 =	vmul.f32 $5.000000000e-01, v23;
	v52 =	vsub.s32 $0x5F3759DF, v51;
	v33 =	vmul.f32 v44, v17  }
0x93: {  	v24 =	vmul.f32 v24, v32;
	v32 =	vsub.f32 v21, v61;
	v46 =	vmul.f32 v34, v37;
	v37 =	vld [tilespmem:s5+$0x2360]  }
0x94: {  	v6 =	vmul.f32 v36, v63;
	v54 =	vmul.f32 v52, v43;
	v45 =	vsub.f32 $1.500000000e+00, v33  }
0x95: {  	v47 =	vmul.f32 v24, v59;
	v48 =	vmul.f32 v32, v32;
	v33 =	vsub.f32 $1.500000000e+00, v46  }
0x96: {  	v27 =	vadd.f32 v36, v63;
	v21 =	vmul.f32 v61, v21;
	v17 =	vmul.f32 v45, v17  }
0x97: {  	v30 =	vmul.f32 v47, v24;
	v33 =	vmul.f32 v34, v33;
	v25 =	vadd.f32 v48, v7  }
0x98: {  	v7 =	vadd.f32 v49, v8;
	v29 =	vmul.f32 v17, v29;
	v41 =	vsub.f32 v38, v37  }
0x99: {  	v30 =	vsub.f32 $1.500000000e+00, v30;
	v42 =	vmul.f32 v33, v35;
	v55 =	vshrl.u32 v25, $0x1  }
0x9a: {  	v44 =	vshrl.u32 v7, $0x1;
	v45 =	vmul.f32 $5.000000000e-01, v7;
	v29 =	vmul.f32 v29, v17  }
0x9b: {  	v56 =	vsub.s32 $0x5F3759DF, v55;
	v58 =	vmul.f32 v41, v41;
	v24 =	vmul.f32 v30, v24  }
0x9c: {  	v44 =	vsub.s32 $0x5F3759DF, v44;
	v50 =	vmul.f32 v42, v33;
	v42 =	vmul.f32 $5.000000000e-01, v25  }
0x9d: {  	v30 =	vmul.f32 v52, v54;
	v57 =	vmul.f32 v44, v45;
	v29 =	vsub.f32 $1.500000000e+00, v29  }
0x9e: {  	v4 =	vadd.f32 v58, v4;
	v8 =	vmul.f32 v24, v59;
	v34 =	vmul.f32 v56, v42  }
0x9f: {  	v53 =	vsub.f32 $1.500000000e+00, v50;
	v36 =	vmul.f32 v44, v57;
	v50 =	vmul.f32 $5.000000000e-01, v11  }
0xa0: {  	v30 =	vsub.f32 $1.500000000e+00, v30;
	v17 =	vmul.f32 v29, v17;
	v63 =	vmul.f32 $5.000000000e-01, v4  }
0xa1: {  	v49 =	vshrl.u32 v11, $0x1;
	v8 =	vmul.f32 v8, v24;
	v29 =	vmul.f32 v53, v33  }
0xa2: {  	v34 =	vmul.f32 v56, v34;
	v30 =	vmul.f32 v52, v30;
	v61 =	vsub.f32 $1.500000000e+00, v36  }
0xa3: {  	[tilespmem:s5+$0x4320] =	vst v19;
	v36 =	vsub.s32 $0x5F3759DF, v49;
	v52 =	vmul.f32 v37, v38;
	v8 =	vsub.f32 $1.500000000e+00, v8  }
0xa4: {  	[tilespmem:s5+$0x4330] =	vst v22;
	v62 =	vshrl.u32 v4, $0x1;
	v51 =	vmul.f32 v36, v50;
	v17 =	vmul.f32 v17, v16  }
0xa5: {  	[tilespmem:s5+$0x4340] =	vst v39;
	v35 =	vmul.f32 v29, v35;
	v8 =	vmul.f32 v8, v24;
	v24 =	vsub.s32 $0x5F3759DF, v62  }
0xa6: {  	[tilespmem:s5+$0x6350] =	vst v40;
	v34 =	vsub.f32 $1.500000000e+00, v34;
	v59 =	vmul.f32 v30, v43;
	v48 =	vmul.f32 v24, v63  }
0xa7: {  	[tilespmem:s5+$0x6330] =	vst v28;
	v9 =	vadd.f32 v26, v9;
	v28 =	vmul.f32 v36, v51;
	v35 =	vmul.f32 v35, v29  }
0xa8: {  	[tilespmem:s5+$0x8320] =	vst v26;
	vm9 =	vgt.f32 v15, $0.0e+00;
	v33 =	vmul.f32 v56, v34;
	v26 =	vmul.f32 v24, v48  }
0xa9: {  	[tilespmem:s5+$0x8330] =	vst v20;
	vm10 =	vgt.f32 v14, $0.0e+00;
	v19 =	vmul.f32 v59, v30;
	v34 =	vmul.f32 v44, v61  }
0xaa: {  	[tilespmem:s5+$0x6320] =	vst v18;
	v53 =	vsub.f32 $1.500000000e+00, v28;
	v18 =	vmul.f32 v33, v42;
	v26 =	vsub.f32 $1.500000000e+00, v26  }
0xab: {  	[tilespmem:s5+$0x4350] =	vst v27;
	v22 =	vmul.f32 v34, v45;
	v19 =	vsub.f32 $1.500000000e+00, v19;
	v8 =	vmul.f32 v8, v15  }
0xac: {  	v3 =	vadd.f32 v21, v3;
	[tilespmem:s5+$0x8340] =	vst v21;
	v16 =	vmul.f32 v36, v53;
	v21 =	vmul.f32 v24, v26  }
0xad: {  	[tilespmem:s5+$0x8370] =	vst v13;
	v60 =	vsub.f32 $1.500000000e+00, v35;
	v22 =	vmul.f32 v22, v34;
	v19 =	vmul.f32 v19, v30  }
0xae: {  	[tilespmem:s5+$0x8350] =	vst v6;
	v54 =	vadd.f32 v37, v38;
	v18 =	vmul.f32 v18, v33;
	v55 =	vmul.f32 v21, v63  }
0xaf: {  	[tilespmem:s5+$0x6340] =	vst v32;
	v20 =	vmul.f32 v60, v29;
	v22 =	vsub.f32 $1.500000000e+00, v22;
	v56 =	vmul.f32 v19, v43  }
0xb0: {  	[tilespmem:s5+$0x6360] =	vst v41;
	v57 =	vmul.f32 v16, v50;
	v18 =	vsub.f32 $1.500000000e+00, v18;
	v15 =	vmul.f32 v55, v21  }
0xb1: {  	[tilespmem:s5+$0x4360] =	vst v54;
	v17 =	vnsel vm0, $0x0, v17;
	v22 =	vmul.f32 v22, v34;
	v27 =	vmul.f32 v56, v19  }
0xb2: {  	[tilespmem:s5+$0x8360] =	vst v52;
	v26 =	vmul.f32 v57, v16;
	v18 =	vmul.f32 v18, v33;
	v15 =	vsub.f32 $1.500000000e+00, v15  }
0xb3: {  	[tilespmem:$0xA300] =	vst v12;
	v12 =	vmul.f32 v20, v14;
	v27 =	vsub.f32 $1.500000000e+00, v27;
	v59 =	vmul.f32 v22, v45  }
0xb4: {  	v58 =	vmul.f32 v18, v42;
	v14 =	vmul.f32 v15, v21;
	v15 =	vsub.f32 $1.500000000e+00, v26  }
0xb5: {  	[tilespmem:$0xA380] =	vst v17;
	v8 =	vnsel vm9, $0x0, v8;
	v17 =	vmul.f32 v27, v19;
	v20 =	vmul.f32 v59, v22  }
0xb6: {  	[tilespmem:$0xA310] =	vst v10;
	v10 =	vnsel vm10, $0x0, v12;
	v12 =	vmul.f32 v14, v63;
	v15 =	vmul.f32 v15, v16  }
0xb7: {  	[tilespmem:$0xA390] =	vst v8;
	v28 =	vmul.f32 v58, v18;
	v8 =	vmul.f32 v17, v23  }
0xb8: {  	[tilespmem:$0xA320] =	vst v9;
	v9 =	vsub.f32 $1.500000000e+00, v20;
	v12 =	vmul.f32 v12, v14;
	v17 =	vmul.f32 v15, v50  }
0xb9: {  	vm11 =	vgt.f32 v23, $0.0e+00;
	v2 =	vadd.f32 v6, v2;
	[tilespmem:$0xA330] =	vst v5;
	v19 =	vsub.f32 $1.500000000e+00, v28  }
0xba: {  	[tilespmem:$0xA340] =	vst v3;
	v5 =	vmul.f32 v9, v22;
	v9 =	vsub.f32 $1.500000000e+00, v12;
	v12 =	vmul.f32 v17, v15  }
0xbb: {  	v0 =	vadd.f32 v13, v0;
	[tilespmem:$0xA350] =	vst v2;
	v8 =	vnsel vm11, $0x0, v8;
	v16 =	vmul.f32 v19, v18  }
0xbc: {  	[tilespmem:$0xA3B0] =	vst v8;
	v3 =	vmul.f32 v5, v7;
	v5 =	vmul.f32 v9, v14;
	v8 =	vsub.f32 $1.500000000e+00, v12  }
0xbd: {  	vm13 =	vgt.f32 v7, $0.0e+00;
	v1 =	vadd.f32 v52, v1;
	[tilespmem:$0xA3A0] =	vst v10;
	v10 =	vmul.f32 v16, v25  }
0xbe: {  	[tilespmem:$0xA370] =	vst v0;
	v2 =	vnsel vm13, $0x0, v3;
	v3 =	vmul.f32 v5, v4;
	v5 =	vmul.f32 v8, v15  }
0xbf: {  	vm12 =	vgt.f32 v25, $0.0e+00;
	[tilespmem:$0xA360] =	vst v1  }
0xc0: {  	vm14 =	vgt.f32 v4, $0.0e+00;
	v6 =	vnsel vm12, $0x0, v10;
	[tilespmem:$0xA3D0] =	vst v2;
	v2 =	vmul.f32 v5, v11  }
0xc1: {  	vm15 =	vgt.f32 v11, $0.0e+00;
	[tilespmem:$0xA3C0] =	vst v6;
	v1 =	vnsel vm14, $0x0, v3  }
0xc2: {  	s7 =	sadd.s32 $0x2, s14;
	[tilespmem:$0xA3E0] =	vst v1;
	v0 =	vnsel vm15, $0x0, v2  }
0xc3: {  	s5 =	smin.u32 s7, s8;
	[tilespmem:$0xA3F0] =	vst v0  }
0xc4: {  	v0 =	vld [tilespmem:s5+$0x0];
	_ =	sdelay $0x4  }
0xc5: {  	(v2sf) =	vpush v0, $0x0  }
0xc6: {  	v0 =	vld [tilespmem:s5+$0x180];
	_ =	sdelay $0x4  }
0xc7: {  	(v2sf) =	vpush v0, $0x0;
	_ =	sdelay $0x8  }
0xc8: {  	s12 =	spop (v2sf)  }
0xc9: {  	s5 =	sshll.u32 s12, $0x10  }
0xca: {  	s5 =	sor.u32 s9, s5  }
0xcb: {  	s5 =	sshrl.u32 s5, $0x3  }
0xcc: {  	s5 =	sadd.s32 s1, s5  }
0xcd: {  	[tilespmem:s17], [sflag:$0x1] =	stream.strided.gather [hbm4b:s5+s15], $0x2000, s16, s15, $0x38;
	[tilespmem:$0x14B00] =	vst v63  }
0xce: {  	s7 =	spop (v2sf)  }
0xcf: {  	s5 =	sshll.u32 s7, $0x10  }
0xd0: {  	s5 =	sor.u32 s9, s5  }
0xd1: {  	s5 =	sshrl.u32 s5, $0x3  }
0xd2: {  	s12 =	sshll.u32 s4, $0xA;
	s7 =	sshll.u32 s4, $0x7;
	s5 =	sadd.s32 s1, s5  }
0xd3: {  	[tilespmem:s18], [sflag:$0x2] =	stream.strided.gather [hbm4b:s5+s15], $0x2000, s16, s15, $0x38;
	[tilespmem:$0x14B00] =	vst v63  }
0xd4: {  	s4 =	sand.u32 $0x380, s7;
	s5 =	sand.u32 $0xFE000, s12  }
0xd5: {  	s4 =	sor.u32 s5, s4  }
0xd6: {  	s4 =	sor.u32 s9, s4  }
0xd7: {  	s4 =	sshrl.u32 s4, $0x3  }
0xd8: {  	s4 =	sadd.s32 s3, s4  }
0xd9: {  	[hbm4b:s4+s23] =	stream.strided.scatter [tilespmem:s25], [sflag:$0x3], $0x6100, s24, s23, $0x38;
	[tilespmem:$0x14B00] =	vst v63  }
0xda: {  	_ =	swait.ge [sflag:s26], $0x2000  }
0xdb: {  	[sflag:s26] =	ssyncset.done $0x0  }
0xdc: {  	[sflag:s26] =	ssyncadd.s32 $0xFFFFE000  }
0xdd: {  	_ =	swait.ge [sflag:s28], $0x2000  }
0xde: {  	[sflag:s28] =	ssyncset.done $0x0  }
0xdf: {  	s4 =	simm.s32 @!p0 $0x6;
	[sflag:s28] =	ssyncadd.s32 $0xFFFFE000  }
0xe0: {  	_ =	swait.ge @!p0 [sflag:s4], $0x6100  }
0xe1: {  	[sflag:s4] =	ssyncset.done @!p0 $0x0  }
0xe2: {  	s7 =	simm.s32 $0x0;
	[sflag:s4] =	ssyncadd.s32 @!p0 $0xFFFF9F00  }
0xe3: {  	v0 =	vld [tilespmem:s7+$0xA770]  }
0xe4: {  	v1 =	vld [tilespmem:s7+$0xC770]  }
0xe5: {  	v2 =	vld [tilespmem:s7+$0xA700]  }
0xe6: {  	v3 =	vld [tilespmem:s7+$0xC700]  }
0xe7: {  	v4 =	vld [tilespmem:s7+$0xA710]  }
0xe8: {  	v5 =	vld [tilespmem:s7+$0xC710]  }
0xe9: {  	v6 =	vld [tilespmem:s7+$0xA720]  }
0xea: {  	v8 =	vld [tilespmem:s7+$0xC720]  }
0xeb: {  	v14 =	vld [tilespmem:s7+$0xA730]  }
0xec: {  	v17 =	vld [tilespmem:s7+$0xC730];
	v7 =	vadd.f32 v1, v0  }
0xed: {  	v9 =	vsub.f32 v0, v1  }
0xee: {  	v10 =	vsub.f32 v2, v3;
	[tilespmem:s7+$0xE770] =	vst v7  }
0xef: {  	v60 =	vimm.f32 $0.0e+00;
	v11 =	vadd.f32 v5, v4;
	[tilespmem:s7+$0x10770] =	vst v9  }
0xf0: {  	v15 =	vmul.f32 v1, v0;
	v12 =	vsub.f32 v4, v5;
	v4 =	vmul.f32 v5, v4;
	[tilespmem:s7+$0x10700] =	vst v10  }
0xf1: {  	v21 =	vld [tilespmem:s7+$0xC750];
	v18 =	vsub.f32 v6, v8;
	v22 =	vsub.f32 v14, v17;
	v9 =	vmul.f32 v9, v9;
	[tilespmem:s7+$0xE710] =	vst v11  }
0xf2: {  	v1 =	vld [tilespmem:s7+$0xA750];
	v7 =	vadd.f32 v3, v2;
	v2 =	vmul.f32 v3, v2;
	v0 =	vadd.f32 v15, v60;
	[tilespmem:s7+$0x10710] =	vst v12  }
0xf3: {  	v61 =	vld [tilespmem:s7+$0xA760];
	v10 =	vmul.f32 v10, v10;
	v5 =	vmul.f32 v12, v12;
	[tilespmem:s7+$0x12710] =	vst v4;
	v11 =	vadd.f32 v9, v60  }
0xf4: {  	v3 =	vld [tilespmem:s7+$0xC740];
	v19 =	vmul.f32 v18, v18;
	[tilespmem:s7+$0x12700] =	vst v2;
	v13 =	vadd.f32 v2, v60;
	v2 =	vadd.f32 v8, v6  }
0xf5: {  	[tilespmem:s7+$0xE700] =	vst v7;
	v7 =	vld [tilespmem:s7+$0xA740];
	v16 =	vadd.f32 v10, v60;
	v10 =	vadd.f32 v4, v60;
	v4 =	vmul.f32 v8, v6  }
0xf6: {  	[tilespmem:s7+$0x10720] =	vst v18;
	v18 =	vmul.f32 v22, v22;
	v6 =	vadd.f32 v17, v14;
	v8 =	vld [tilespmem:s7+$0xC760];
	v12 =	vadd.f32 v5, v60  }
0xf7: {  	v20 =	vadd.f32 v21, v1;
	[tilespmem:s7+$0xE720] =	vst v2;
	v9 =	vadd.f32 v4, v60;
	v2 =	vmul.f32 v17, v14  }
0xf8: {  	[tilespmem:s7+$0x10730] =	vst v22;
	v22 =	vmul.f32 v21, v1;
	v14 =	vadd.f32 v19, v60;
	v19 =	vsub.f32 v1, v21  }
0xf9: {  	[tilespmem:s7+$0xE730] =	vst v6;
	v6 =	vadd.f32 v18, v60;
	v5 =	vadd.f32 v2, v60  }
0xfa: {  	[tilespmem:s7+$0x12730] =	vst v2;
	v2 =	vadd.f32 v22, v60;
	v17 =	vadd.f32 v3, v7  }
0xfb: {  	v1 =	vmul.f32 v19, v19;
	v62 =	vsub.f32 v7, v3;
	v18 =	vsub.f32 v61, v8  }
0xfc: {  	[tilespmem:s7+$0x12720] =	vst v4;
	v4 =	vmul.f32 v3, v7;
	v23 =	vadd.f32 v8, v61;
	v21 =	vmul.f32 v8, v61  }
0xfd: {  	v8 =	vadd.f32 v1, v60;
	v7 =	vmul.f32 v62, v62;
	[tilespmem:s7+$0xE740] =	vst v17;
	v63 =	vmul.f32 v18, v18  }
0xfe: {  	s12 =	sor.u32 $0x1, s14;
	s5 =	simm.s32 $0x80;
	v3 =	vadd.f32 v4, v60;
	[tilespmem:s7+$0x10740] =	vst v62;
	v1 =	vadd.f32 v21, v60  }
0xff: {  	s4 =	smin.u32 s12, s8;
	s12 =	simm.s32 $0x400;
	v17 =	vld [tilespmem:s5+$0xA770];
	[tilespmem:s7+$0x12740] =	vst v4;
	v7 =	vadd.f32 v7, v60;
	v4 =	vadd.f32 v63, v60  }
.LBB2_5:
0x100: {  	p0 =	sne.s32 s12, $0x7E00;
	v24 =	vld [tilespmem:s5+$0xC770];
	[tilespmem:s7+$0xE750] =	vst v20  }
0x101: {  	v20 =	vld [tilespmem:s5+$0xA700];
	[tilespmem:s7+$0x10750] =	vst v19  }
0x102: {  	v19 =	vld [tilespmem:s5+$0xC700];
	[tilespmem:s7+$0x12750] =	vst v22  }
0x103: {  	v22 =	vld [tilespmem:s5+$0xA710];
	[tilespmem:s7+$0xE760] =	vst v23  }
0x104: {  	v23 =	vld [tilespmem:s5+$0xC710];
	[tilespmem:s7+$0x10760] =	vst v18  }
0x105: {  	v18 =	vld [tilespmem:s5+$0xA720];
	v25 =	vadd.f32 v24, v17;
	v26 =	vsub.f32 v17, v24;
	v17 =	vmul.f32 v24, v17;
	[tilespmem:s7+$0x12760] =	vst v21  }
0x106: {  	v21 =	vld [tilespmem:s5+$0xC720];
	[tilespmem:s7+$0x12770] =	vst v15;
	s7 =	smov.u32 s5  }
0x107: {  	v24 =	vadd.f32 v19, v20;
	v27 =	vsub.f32 v20, v19;
	v28 =	vld [tilespmem:s7+$0xA730];
	[tilespmem:s7+$0xE770] =	vst v25;
	v25 =	vmul.f32 v26, v26  }
0x108: {  	v19 =	vmul.f32 v19, v20;
	v0 =	vadd.f32 v17, v0;
	v15 =	vmov v17;
	v20 =	vld [tilespmem:s7+$0xC730];
	[tilespmem:s7+$0x10770] =	vst v26  }
0x109: {  	[tilespmem:s7+$0xE700] =	vst v24;
	v17 =	vmul.f32 v27, v27;
	v24 =	vsub.f32 v22, v23;
	v26 =	vld [tilespmem:s7+$0xA740];
	v11 =	vadd.f32 v25, v11  }
0x10a: {  	v13 =	vadd.f32 v19, v13;
	v25 =	vadd.f32 v23, v22;
	v22 =	vmul.f32 v23, v22;
	[tilespmem:s7+$0x10700] =	vst v27;
	v23 =	vld [tilespmem:s7+$0xC740]  }
0x10b: {  	[tilespmem:s7+$0x12700] =	vst v19;
	v19 =	vmul.f32 v24, v24;
	v27 =	vadd.f32 v21, v18;
	v29 =	vsub.f32 v18, v21;
	v30 =	vld [tilespmem:s7+$0xA750]  }
0x10c: {  	v16 =	vadd.f32 v17, v16;
	v10 =	vadd.f32 v22, v10;
	v17 =	vmul.f32 v21, v18;
	[tilespmem:s7+$0xE710] =	vst v25;
	v18 =	vld [tilespmem:s7+$0xC750]  }
0x10d: {  	[tilespmem:s7+$0x10710] =	vst v24;
	v21 =	vmul.f32 v29, v29;
	v24 =	vadd.f32 v20, v28;
	v25 =	vsub.f32 v28, v20;
	v31 =	vld [tilespmem:s7+$0xA760]  }
0x10e: {  	v12 =	vadd.f32 v19, v12;
	v9 =	vadd.f32 v17, v9;
	v28 =	vmul.f32 v20, v28;
	[tilespmem:s7+$0x12710] =	vst v22;
	v32 =	vld [tilespmem:s7+$0xC760]  }
0x10f: {  	[tilespmem:s7+$0xE720] =	vst v27;
	v22 =	vmul.f32 v25, v25;
	v27 =	vadd.f32 v23, v26;
	v33 =	vsub.f32 v26, v23  }
0x110: {  	v14 =	vadd.f32 v21, v14;
	v5 =	vadd.f32 v28, v5;
	v26 =	vmul.f32 v23, v26;
	[tilespmem:s7+$0x10720] =	vst v29  }
0x111: {  	[tilespmem:s7+$0x12720] =	vst v17;
	v17 =	vmul.f32 v33, v33;
	v20 =	vadd.f32 v18, v30;
	v19 =	vsub.f32 v30, v18  }
0x112: {  	v6 =	vadd.f32 v22, v6;
	v3 =	vadd.f32 v26, v3;
	v22 =	vmul.f32 v18, v30;
	[tilespmem:s7+$0xE730] =	vst v24  }
.Ltmp1:
0x113: {  	[tilespmem:s7+$0x10730] =	vst v25;
	v24 =	vmul.f32 v19, v19;
	v23 =	vadd.f32 v32, v31;
	v18 =	vsub.f32 v31, v32;
	(pc) =	sbr.rel @p0 .LBB2_5-.Ltmp1, $4  }
0x114: {  	v7 =	vadd.f32 v17, v7;
	v2 =	vadd.f32 v22, v2;
	v21 =	vmul.f32 v32, v31;
	[tilespmem:s7+$0x12730] =	vst v28  }
0x115: {  	[tilespmem:s7+$0xE740] =	vst v27;
	v8 =	vadd.f32 v24, v8;
	v24 =	vmul.f32 v18, v18  }
0x116: {  	s5 =	sshra.s32 s12, $0x2;
	v1 =	vadd.f32 v21, v1;
	[tilespmem:s7+$0x10740] =	vst v33  }
0x117: {  	s12 =	sadd.s32 $0x200, s12;
	v17 =	vld [tilespmem:s5+$0xA770];
	[tilespmem:s7+$0x12740] =	vst v26;
	v4 =	vadd.f32 v24, v4  }
0x118: {  	v24 =	vld [tilespmem:s5+$0xC770];
	[tilespmem:s7+$0xE750] =	vst v20  }
0x119: {  	v20 =	vld [tilespmem:s5+$0xA700];
	[tilespmem:s7+$0x10750] =	vst v19  }
0x11a: {  	v19 =	vld [tilespmem:s5+$0xC700];
	[tilespmem:s7+$0x12750] =	vst v22  }
0x11b: {  	v22 =	vld [tilespmem:s5+$0xA710];
	[tilespmem:s7+$0xE760] =	vst v23  }
0x11c: {  	v25 =	vld [tilespmem:s5+$0xC710];
	[tilespmem:s7+$0x10760] =	vst v18  }
0x11d: {  	v26 =	vld [tilespmem:s5+$0xA720];
	[tilespmem:s7+$0x12760] =	vst v21  }
0x11e: {  	v51 =	vsub.f32 v17, v24;
	v27 =	vld [tilespmem:s5+$0xC720];
	[tilespmem:s7+$0x12770] =	vst v15  }
0x11f: {  	v48 =	vsub.f32 v20, v19;
	v30 =	vld [tilespmem:s5+$0xA730]  }
0x120: {  	v31 =	vmul.f32 v51, v51;
	v33 =	vadd.f32 v19, v20;
	v55 =	vld [tilespmem:s5+$0xC730]  }
0x121: {  	v19 =	vmul.f32 v19, v20;
	v56 =	vld [tilespmem:s5+$0xA740];
	v49 =	vmul.f32 v48, v48;
	v28 =	vsub.f32 v22, v25  }
0x122: {  	v50 =	vadd.f32 v24, v17;
	v61 =	vld [tilespmem:s5+$0xC740];
	v11 =	vadd.f32 v31, v11  }
0x123: {  	v63 =	vld [tilespmem:s5+$0xA750];
	v13 =	vadd.f32 v19, v13;
	v16 =	vadd.f32 v49, v16;
	v53 =	vmul.f32 v28, v28  }
0x124: {  	v36 =	vld [tilespmem:s5+$0xC750];
	v59 =	vmul.f32 v25, v22;
	v22 =	vadd.f32 v25, v22;
	[tilespmem:s5+$0x12700] =	vst v19;
	v19 =	vadd.f32 v27, v26  }
0x125: {  	v52 =	vshrl.u32 v16, $0x1;
	v29 =	vmul.f32 $5.000000000e-01, v16;
	v15 =	vadd.f32 v53, v12  }
0x126: {  	v12 =	vmul.f32 v24, v17;
	v17 =	vsub.f32 v26, v27;
	v32 =	vsub.s32 $0x5F3759DF, v52  }
0x127: {  	v10 =	vadd.f32 v59, v10;
	[tilespmem:s5+$0xE710] =	vst v22;
	v22 =	vadd.f32 v55, v30;
	v54 =	vmul.f32 v32, v29  }
0x128: {  	[tilespmem:s5+$0x10710] =	vst v28;
	v28 =	vsub.f32 v30, v55;
	v20 =	vmul.f32 v55, v30;
	v60 =	vmul.f32 v17, v17  }
0x129: {  	v21 =	vmul.f32 v61, v56;
	v40 =	vsub.f32 v63, v36;
	v18 =	vmul.f32 v32, v54  }
0x12a: {  	v57 =	vshrl.u32 v15, $0x1;
	v58 =	vmul.f32 $5.000000000e-01, v15;
	v14 =	vadd.f32 v60, v14  }
0x12b: {  	v26 =	vmul.f32 v27, v26;
	v24 =	vsub.s32 $0x5F3759DF, v57;
	v18 =	vsub.f32 $1.500000000e+00, v18  }
0x12c: {  	v62 =	vmul.f32 v24, v58;
	v34 =	vshrl.u32 v14, $0x1;
	v35 =	vmul.f32 $5.000000000e-01, v14  }
0x12d: {  	v45 =	vmul.f32 v28, v28;
	v34 =	vsub.s32 $0x5F3759DF, v34;
	v18 =	vmul.f32 v32, v18  }
0x12e: {  	v39 =	vadd.f32 v61, v56;
	v32 =	vmul.f32 v24, v62;
	v37 =	vmul.f32 v34, v35  }
0x12f: {  	v38 =	vld [tilespmem:s5+$0xA760];
	v27 =	vadd.f32 v36, v63;
	v49 =	vmul.f32 v40, v40;
	v43 =	vmul.f32 v18, v29  }
0x130: {  	v23 =	vadd.f32 v45, v6;
	v32 =	vsub.f32 $1.500000000e+00, v32;
	v46 =	vmul.f32 v34, v37;
	v37 =	vld [tilespmem:s5+$0xC760]  }
0x131: {  	[tilespmem:s5+$0xE700] =	vst v33;
	vm0 =	vgt.f32 v16, $0.0e+00;
	v6 =	vmul.f32 v36, v63;
	v33 =	vmul.f32 v43, v18  }
0x132: {  	[tilespmem:s5+$0x10770] =	vst v51;
	v51 =	vshrl.u32 v23, $0x1;
	v24 =	vmul.f32 v24, v32;
	v32 =	vsub.f32 v56, v61  }
0x133: {  	v53 =	vsub.s32 $0x5F3759DF, v51;
	v43 =	vmul.f32 $5.000000000e-01, v23;
	v44 =	vsub.f32 $1.500000000e+00, v33  }
0x134: {  	[tilespmem:s5+$0x10700] =	vst v48;
	v47 =	vmul.f32 v24, v58;
	v48 =	vmul.f32 v32, v32;
	v33 =	vsub.f32 $1.500000000e+00, v46  }
0x135: {  	v55 =	vmul.f32 v53, v43;
	v41 =	vsub.f32 v38, v37;
	v18 =	vmul.f32 v44, v18  }
0x136: {  	v30 =	vmul.f32 v47, v24;
	v33 =	vmul.f32 v34, v33;
	v25 =	vadd.f32 v48, v7  }
0x137: {  	[tilespmem:s5+$0x12710] =	vst v59;
	v7 =	vadd.f32 v49, v8;
	v59 =	vmul.f32 v41, v41;
	v29 =	vmul.f32 v18, v29  }
0x138: {  	v30 =	vsub.f32 $1.500000000e+00, v30;
	v42 =	vmul.f32 v33, v35;
	v56 =	vshrl.u32 v25, $0x1  }
0x139: {  	v44 =	vshrl.u32 v7, $0x1;
	v45 =	vmul.f32 $5.000000000e-01, v7;
	v57 =	vsub.s32 $0x5F3759DF, v56  }
0x13a: {  	v4 =	vadd.f32 v59, v4;
	v29 =	vmul.f32 v29, v18;
	v24 =	vmul.f32 v30, v24  }
0x13b: {  	[tilespmem:s5+$0xE770] =	vst v50;
	v44 =	vsub.s32 $0x5F3759DF, v44;
	v50 =	vmul.f32 v42, v33;
	v42 =	vmul.f32 $5.000000000e-01, v25  }
0x13c: {  	v30 =	vmul.f32 v53, v55;
	v48 =	vmul.f32 $5.000000000e-01, v4;
	v29 =	vsub.f32 $1.500000000e+00, v29  }
0x13d: {  	v52 =	vmul.f32 v24, v58;
	v54 =	vsub.f32 $1.500000000e+00, v50;
	v34 =	vmul.f32 v57, v42  }
0x13e: {  	v30 =	vsub.f32 $1.500000000e+00, v30;
	v58 =	vmul.f32 v44, v45;
	v18 =	vmul.f32 v29, v18  }
0x13f: {  	v5 =	vadd.f32 v20, v5;
	v8 =	vmul.f32 v52, v24;
	v29 =	vmul.f32 v54, v33  }
0x140: {  	v51 =	vshrl.u32 v11, $0x1;
	v34 =	vmul.f32 v57, v34;
	v30 =	vmul.f32 v53, v30  }
0x141: {  	v47 =	vshrl.u32 v4, $0x1;
	v36 =	vmul.f32 v44, v58;
	v52 =	vmul.f32 $5.000000000e-01, v11  }
0x142: {  	[tilespmem:s5+$0xE720] =	vst v19;
	v35 =	vmul.f32 v29, v35;
	v8 =	vsub.f32 $1.500000000e+00, v8;
	v34 =	vsub.f32 $1.500000000e+00, v34  }
0x143: {  	[tilespmem:s5+$0xE730] =	vst v22;
	v60 =	vmul.f32 v30, v43;
	v62 =	vsub.f32 $1.500000000e+00, v36;
	v36 =	vsub.s32 $0x5F3759DF, v51  }
0x144: {  	[tilespmem:s5+$0x10730] =	vst v28;
	v18 =	vmul.f32 v18, v16;
	v8 =	vmul.f32 v8, v24;
	v24 =	vsub.s32 $0x5F3759DF, v47  }
0x145: {  	[tilespmem:s5+$0x12730] =	vst v20;
	v3 =	vadd.f32 v21, v3;
	v54 =	vmul.f32 v36, v52;
	v50 =	vmul.f32 v24, v48  }
0x146: {  	[tilespmem:s5+$0xE740] =	vst v39;
	v9 =	vadd.f32 v26, v9;
	v35 =	vmul.f32 v35, v29;
	v33 =	vmul.f32 v57, v34  }
0x147: {  	[tilespmem:s5+$0x12720] =	vst v26;
	vm9 =	vgt.f32 v15, $0.0e+00;
	v63 =	vmul.f32 v60, v30;
	v26 =	vmul.f32 v24, v50  }
0x148: {  	[tilespmem:s5+$0x12740] =	vst v21;
	v0 =	vadd.f32 v12, v0;
	v34 =	vmul.f32 v44, v62;
	v28 =	vmul.f32 v36, v54  }
0x149: {  	[tilespmem:s5+$0x10750] =	vst v40;
	v57 =	vmul.f32 v37, v38;
	v49 =	vmul.f32 v33, v42;
	v26 =	vsub.f32 $1.500000000e+00, v26  }
0x14a: {  	[tilespmem:s5+$0x10720] =	vst v17;
	v61 =	vsub.f32 $1.500000000e+00, v35;
	v53 =	vmul.f32 v34, v45;
	v58 =	vsub.f32 $1.500000000e+00, v28  }
0x14b: {  	[tilespmem:s5+$0xE750] =	vst v27;
	vm11 =	vgt.f32 v23, $0.0e+00;
	v17 =	vmul.f32 v49, v33;
	v56 =	vmul.f32 v24, v26  }
0x14c: {  	[tilespmem:s5+$0x12770] =	vst v12;
	v19 =	vsub.f32 $1.500000000e+00, v63;
	v55 =	vmul.f32 v61, v29;
	v60 =	vmul.f32 v36, v58  }
0x14d: {  	[tilespmem:s5+$0x12750] =	vst v6;
	v2 =	vadd.f32 v6, v2;
	v22 =	vmul.f32 v53, v34;
	v61 =	vmul.f32 v56, v48  }
0x14e: {  	[tilespmem:s5+$0x10740] =	vst v32;
	v59 =	vadd.f32 v37, v38;
	v19 =	vmul.f32 v19, v30;
	v32 =	vmul.f32 v60, v52  }
0x14f: {  	[tilespmem:s5+$0x10760] =	vst v41;
	v18 =	vnsel vm0, $0x0, v18;
	v17 =	vsub.f32 $1.500000000e+00, v17;
	v63 =	vmul.f32 v61, v56  }
0x150: {  	[tilespmem:s5+$0xE760] =	vst v59;
	v22 =	vsub.f32 $1.500000000e+00, v22;
	v62 =	vmul.f32 v19, v43;
	v26 =	vmul.f32 v32, v60  }
0x151: {  	v8 =	vmul.f32 v8, v15;
	[tilespmem:s5+$0x12760] =	vst v57;
	v17 =	vmul.f32 v17, v33;
	v15 =	vsub.f32 $1.500000000e+00, v63  }
0x152: {  	[tilespmem:$0x14700] =	vst v13;
	v22 =	vmul.f32 v22, v34;
	v27 =	vmul.f32 v62, v19;
	v38 =	vsub.f32 $1.500000000e+00, v26  }
0x153: {  	vm10 =	vgt.f32 v14, $0.0e+00;
	[tilespmem:$0x14780] =	vst v18;
	v33 =	vmul.f32 v17, v42;
	v37 =	vmul.f32 v15, v56  }
0x154: {  	vm12 =	vgt.f32 v25, $0.0e+00;
	[tilespmem:$0x14710] =	vst v10;
	v34 =	vmul.f32 v22, v45;
	v15 =	vmul.f32 v38, v60  }
0x155: {  	v1 =	vadd.f32 v57, v1;
	[tilespmem:$0x14720] =	vst v9;
	v28 =	vmul.f32 v33, v17;
	v43 =	vmul.f32 v37, v48  }
0x156: {  	[tilespmem:$0x14730] =	vst v5;
	v27 =	vsub.f32 $1.500000000e+00, v27;
	v41 =	vmul.f32 v34, v22;
	v48 =	vmul.f32 v15, v52  }
0x157: {  	[tilespmem:$0x14740] =	vst v3;
	v8 =	vnsel vm9, $0x0, v8;
	v40 =	vsub.f32 $1.500000000e+00, v28;
	v13 =	vmul.f32 v43, v37  }
0x158: {  	[tilespmem:$0x14750] =	vst v2;
	v39 =	vmul.f32 v27, v19;
	v47 =	vsub.f32 $1.500000000e+00, v41;
	v52 =	vmul.f32 v48, v15  }
0x159: {  	[tilespmem:$0x14770] =	vst v0;
	v36 =	vmul.f32 v55, v14;
	v46 =	vmul.f32 v40, v17;
	v51 =	vsub.f32 $1.500000000e+00, v13  }
0x15a: {  	[tilespmem:$0x14760] =	vst v1;
	v45 =	vmul.f32 v39, v23;
	v50 =	vmul.f32 v47, v22;
	v56 =	vsub.f32 $1.500000000e+00, v52  }
0x15b: {  	[tilespmem:$0x14790] =	vst v8;
	v42 =	vnsel vm10, $0x0, v36;
	v49 =	vmul.f32 v46, v25;
	v55 =	vmul.f32 v51, v37  }
0x15c: {  	[tilespmem:$0x147A0] =	vst v42;
	v8 =	vnsel vm11, $0x0, v45;
	v54 =	vmul.f32 v50, v7;
	v59 =	vmul.f32 v56, v15  }
0x15d: {  	vm13 =	vgt.f32 v7, $0.0e+00;
	[tilespmem:$0x147B0] =	vst v8;
	v53 =	vnsel vm12, $0x0, v49;
	v58 =	vmul.f32 v55, v4  }
0x15e: {  	vm14 =	vgt.f32 v4, $0.0e+00;
	v57 =	vnsel vm13, $0x0, v54;
	[tilespmem:$0x147C0] =	vst v53;
	v61 =	vmul.f32 v59, v11  }
0x15f: {  	vm15 =	vgt.f32 v11, $0.0e+00;
	[tilespmem:$0x147D0] =	vst v57;
	v60 =	vnsel vm14, $0x0, v58  }
0x160: {  	s12 =	sadd.s32 $0x3, s14;
	v62 =	vnsel vm15, $0x0, v61;
	[tilespmem:$0x147E0] =	vst v60  }
0x161: {  	s5 =	smin.u32 s12, s8;
	[tilespmem:$0x147F0] =	vst v62  }
0x162: {  	v0 =	vld [tilespmem:s5+$0x0];
	_ =	sdelay $0x3  }
0x163: {  	v63 =	vld [tilespmem:s5+$0x180]  }
0x164: {  	(v2sf) =	vpush v0, $0x0;
	_ =	sdelay $0x3  }
0x165: {  	(v2sf) =	vpush v63, $0x0;
	_ =	sdelay $0xa  }
0x166: {  	s14 =	spop (v2sf)  }
0x167: {  	s5 =	sshll.u32 s14, $0x10  }
0x168: {  	s5 =	sor.u32 s9, s5  }
0x169: {  	s5 =	sshrl.u32 s5, $0x3  }
0x16a: {  	s7 =	spop (v2sf);
	s5 =	sadd.s32 s1, s5  }
0x16b: {  	[tilespmem:s19], [sflag:$0x4] =	stream.strided.gather [hbm4b:s5+s15], $0x2000, s16, s15, $0x38;
	[tilespmem:$0x14B00] =	vst v63  }
0x16c: {  	s5 =	sshll.u32 s7, $0x10  }
0x16d: {  	s5 =	sor.u32 s9, s5  }
0x16e: {  	s2 =	sadd.s32 $0x1, s2;
	s5 =	sshrl.u32 s5, $0x3  }
0x16f: {  	s12 =	sshll.u32 s4, $0xA;
	s14 =	sshll.u32 s4, $0x7;
	s5 =	sadd.s32 s1, s5  }
0x170: {  	[tilespmem:s20], [sflag:$0x5] =	stream.strided.gather [hbm4b:s5+s15], $0x2000, s16, s15, $0x38;
	[tilespmem:$0x14B00] =	vst v63  }
0x171: {  	p0 =	sne.s32 s2, $0x2C;
	s4 =	sand.u32 $0x380, s14;
	s5 =	sand.u32 $0xFE000, s12  }
.Ltmp2:
0x172: {  	s4 =	sor.u32 s5, s4;
	(pc) =	sbr.rel @p0 .LBB2_2-.Ltmp2, $4  }
0x173: {  	s4 =	sor.u32 s9, s4  }
0x174: {  	s4 =	sshrl.u32 s4, $0x3  }
0x175: {  	s4 =	sadd.s32 s3, s4  }
0x176: {  	[hbm4b:s4+s23] =	stream.strided.scatter [tilespmem:s29], [sflag:$0x6], $0x6100, s24, s23, $0x38;
	[tilespmem:$0x14B00] =	vst v63  }
0x177: {  	_ =	swait.ge [sflag:s21], $0x2000  }
0x178: {  	[sflag:s21] =	ssyncset.done $0x0  }
0x179: {  	[sflag:s21] =	ssyncadd.s32 $0xFFFFE000  }
0x17a: {  	_ =	swait.ge [sflag:s22], $0x2000  }
0x17b: {  	[sflag:s22] =	ssyncset.done $0x0  }
0x17c: {  	[sflag:s22] =	ssyncadd.s32 $0xFFFFE000  }
0x17d: {  	_ =	swait.ge [sflag:s30], $0x6100  }
0x17e: {  	[sflag:s30] =	ssyncset.done $0x0  }
0x17f: {  	[sflag:s30] =	ssyncadd.s32 $0xFFFF9F00  }
0x180: {  	_ =	swait.ge [sflag:s26], $0x2000  }
0x181: {  	[sflag:s26] =	ssyncset.done $0x0  }
0x182: {  	[sflag:s26] =	ssyncadd.s32 $0xFFFFE000  }
0x183: {  	_ =	swait.ge [sflag:s28], $0x2000  }
0x184: {  	[sflag:s28] =	ssyncset.done $0x0  }
0x185: {  	[sflag:s28] =	ssyncadd.s32 $0xFFFFE000  }
0x186: {  	_ =	swait.ge [sflag:s31], $0x6100  }
0x187: {  	s0 =	sadd.s32 $0x1, s0;
	s2 =	rddreg [dreg:$0x6]  }
0x188: {  	p0 =	sne.s32 s0, s2  }
.Ltmp3:
0x189: {  	_ = 	snop;
	(pc) =	sbr.rel @p0 .LBB2_1-.Ltmp3, $3  }
0x18a: {  	_ =	sdelay $0x1  }
0x18b: {  	[sflag:s31] =	ssyncset.done $0x0  }
0x18c: {  	[sflag:s31] =	ssyncadd.s32 $0xFFFF9F00  }
0x18d: {  	_ =	sfence.sel $0x180000  }
0x18e: {  	[bflag:$0x0] =	sbarrier.arrive $0xFFFF  }
0x18f: {  	_ =	strace $0x90000047  }
0x190: {  	s0 =	stileid.u32;
	[bflag:$0x2] =	sbarrier.arrive $0xFFFF  }
0x191: {  	p0 =	sne.s32 s0, $0x0;
	s0 =	rddreg [dreg:$0x3]  }
0x192: {  	s0 =	sadd.s32 @!p0 $0x100000, s0  }
0x193: {  	[sflag:s0] =	ssyncadd.tile.s32 @!p0 $0x1;
	_ =	shalt  }
.Lfunc_end2:
_tile_overlayer_lowered:
.L_overlay_start_2:
0x194: {  	(tag) =	ssettag $0x2  }
0x195: {  	s0 =	rddreg [dreg:$0x0];
	s2 =	stileid.u32  }
0x196: {  	s1 =	rddreg [dreg:$0x1];
	p0 =	sne.s32 s2, $0x0  }
0x197: {  	s3 =	rddreg [dreg:$0x2];
	[bflag:$0x3] =	sbarrier.arrive $0xFFFF;
	s2 =	simm.s32 @!p0 $0x1C07  }
0x198: {  	[timem:s3], [sflag:s2] =	dma.local @!p0 [hbm:s0], s1  }
0x199: {  	s0 =	simm.s32 @!p0 $0x7  }
0x19a: {  	_ =	swait.ge @!p0 [sflag:s0], s1  }
0x19b: {  	s1 =	ssub.s32 @!p0 $0x0, s1;
	[sflag:s0] =	ssyncset.done @!p0 $0x0  }
0x19c: {  	[sflag:s0] =	ssyncadd.s32 @!p0 s1  }
0x19d: {  	[bflag:$0x3] =	sbarrier.arrive $0xFFFF  }
0x19e: {  	_ =	shalt  }

</sc_bundles>
